<compile_context>
chip_gen: v7x
topology: tpu7x:2x2x1
jax: 0.10.2.dev20260603
libtpu: 0.0.44.dev20260713+nightly
codegen_flags: <defaults>
</compile_context>

<pallas_src>
import functools

import jax
import jax.numpy as jnp
from jax import lax
from jax.experimental import pallas as pl
from jax.experimental.pallas import tpu as pltpu
from jax.experimental.pallas import tpu_sc as plsc

_ADA_COEF = 1.0
_ROWS = 16384
_SIZE = 64
_NC = 2
_NS = 16
_L = 16
_NW = _NC * _NS
_RPW = _ROWS // _NW
_Q = _SIZE // _L


def _sort16(k):
    return plsc.sort_key_val(k, k, descending=True)[0]


def _rev(x):
    return lax.rev(x, dimensions=(0,))


def _merge2(a, b):
    br = _rev(b)
    return [_sort16(jnp.maximum(a, br)), _sort16(jnp.minimum(a, br))]


def _merge4(a, b):
    rb0 = _rev(b[1])
    rb1 = _rev(b[0])
    half_hi = (jnp.maximum(a[0], rb0), jnp.maximum(a[1], rb1))
    half_lo = (jnp.minimum(a[0], rb0), jnp.minimum(a[1], rb1))
    out = []
    for x in (half_hi, half_lo):
        out.append(_sort16(jnp.maximum(x[0], x[1])))
        out.append(_sort16(jnp.minimum(x[0], x[1])))
    return out


def _sort64(keys):
    s = [_sort16(k) for k in keys]
    a = _merge2(s[0], s[1])
    b = _merge2(s[2], s[3])
    return _merge4(a, b)


_CHUNK = 256
_NCHUNK = _RPW // _CHUNK


def _body(pred_hbm, label_hbm, ema_hbm, out_hbm, lab_v, pred_v, ema_v):
    wid = lax.axis_index("s") * _NC + lax.axis_index("c")
    base = wid * _RPW
    pltpu.sync_copy(ema_hbm, ema_v)

    iota = lax.iota(jnp.int32, _L)
    emas = [ema_v[pl.ds(q * _L, _L)] * (-_ADA_COEF) for q in range(_Q)]
    base_vals = [iota + q * _L for q in range(_Q)]
    idx_mask = jnp.full((_L,), _SIZE - 1, jnp.int32)
    key_mask = jnp.full((_L,), -_SIZE, jnp.int32)

    def row(i):
        keys = [
            plsc.bitcast(
                (plsc.bitcast(lab_v[i, pl.ds(q * _L, _L)], jnp.int32)
                 & key_mask) | base_vals[q],
                jnp.float32)
            for q in range(_Q)
        ]
        sorted_k = _sort64(keys)
        ridx = jnp.full((_L,), i, jnp.int32)
        for q in range(_Q):
            idx = plsc.bitcast(sorted_k[q], jnp.int32) & idx_mask
            plsc.addupdate_scatter(pred_v, [ridx, idx], emas[q])

    for c in range(_NCHUNK):
        cbase = base + c * _CHUNK
        pltpu.sync_copy(label_hbm.at[pl.ds(cbase, _CHUNK)], lab_v)
        pltpu.sync_copy(pred_hbm.at[pl.ds(cbase, _CHUNK)], pred_v)
        plsc.parallel_loop(0, _CHUNK, unroll=2)(row)
        pltpu.sync_copy(pred_v, out_hbm.at[pl.ds(cbase, _CHUNK)])


def kernel(pred_scores, label_scores, rank_ema):
    mesh = plsc.VectorSubcoreMesh(core_axis_name="c", subcore_axis_name="s")
    run = functools.partial(
        pl.kernel,
        mesh=mesh,
        compiler_params=pltpu.CompilerParams(
            needs_layout_passes=False, use_tc_tiling_on_sc=True),
        out_type=jax.ShapeDtypeStruct((_ROWS, _SIZE), jnp.float32),
        scratch_types=[
            pltpu.VMEM((_CHUNK, _SIZE), jnp.float32),
            pltpu.VMEM((_CHUNK, _SIZE), jnp.float32),
            pltpu.VMEM((_SIZE,), jnp.float32),
        ],
    )(_body)
    return run(pred_scores, label_scores, rank_ema)

# --- scband reference (transcript-rebuilt; emitter-appended) ---
"""Pipeline reference for scband-ada-mscore-84138409329025 (READ-ONLY COPY).

The authoritative reference and input builder live on the scoring server;
editing this copy changes nothing except your own understanding.
"""

import jax, jax.numpy as jnp
import numpy as np

ADA_COEF = 1.0
GAMMA = 0.9999
SIZE = 64

def setup_inputs(seed: int = 0) -> dict:
    key = jax.random.key(seed)
    k1, k2 = jax.random.split(key, 2)
    pred_scores = jax.random.normal(k1, (16384, SIZE), dtype=jnp.float32)
    label_scores = jax.random.normal(k2, (16384, SIZE), dtype=jnp.float32)
    rank_ema = jnp.zeros((SIZE,), dtype=jnp.float32)
    return {"pred_scores": pred_scores, "label_scores": label_scores, "rank_ema": rank_ema}

def reference(pred_scores, label_scores, rank_ema):
    # rank_indices: indices that sort label_scores descending
    rank_indices = jnp.argsort(-label_scores, axis=-1)
    # rank_true: rank position of each original element
    rank_true = jnp.argsort(rank_indices, axis=-1)
    # pred scores re-ordered by true rank
    sorted_scores = jnp.take_along_axis(pred_scores, rank_indices, axis=-1)
    # gather per-rank EMA baseline for each element's true rank
    select_rank_ema = rank_ema[rank_true]
    out = pred_scores - ADA_COEF * select_rank_ema
    # EMA update (side-effect in torch; computed here for faithfulness, not returned)
    new_rank_ema = GAMMA * rank_ema + (1.0 - GAMMA) * jnp.mean(sorted_scores, axis=0)
    del new_rank_ema
    return out

if __name__ == "__main__":
    import jax
    _d = setup_inputs()
    print(jax.jit(kernel)(*tuple(_d.values())))

</pallas_src>

<mosaic_0001>
#map = affine_map<(d0, d1) -> (0, 0)>
#map1 = affine_map<(d0, d1) -> (0)>
module attributes {stable_mosaic.version = 14 : i64} {
  func.func @_body(%arg0: i32, %arg1: i32, %arg2: memref<16384x64xf32, #tpu.memory_space<hbm>>, %arg3: memref<16384x64xf32, #tpu.memory_space<hbm>>, %arg4: memref<64xf32, #tpu.memory_space<hbm>>, %arg5: memref<16384x64xf32, #tpu.memory_space<hbm>>, %arg6: memref<256x64xf32, #tpu.memory_space<vmem>>, %arg7: memref<256x64xf32, #tpu.memory_space<vmem>>, %arg8: memref<64xf32, #tpu.memory_space<vmem>>) attributes {dimension_semantics = [#tpu.dimension_semantics<core_parallel>, #tpu.dimension_semantics<subcore_parallel>], iteration_bounds = array<i64: 2, 16>, scalar_prefetch = 0 : i64, scratch_operands = 3 : i64, tpu.core_type = #tpu.core_type<sc_vector_subcore>, window_params = [{transform_indices = #map}, {transform_indices = #map}, {transform_indices = #map1}, {transform_indices = #map}]} {
    %mul3A = arith.constant 2 : i32
    %mul3A_0 = arith.muli %arg1, %mul3A : i32
    %add3A = arith.addi %mul3A_0, %arg0 : i32
    %mul3A_1 = arith.constant 512 : i32
    %mul3A_2 = arith.muli %add3A, %mul3A_1 : i32
    "tpu.region"() ({
      %run_scoped3A = tpu.sem_alloc : memref<!tpu.dma_semaphore, #tpu.memory_space<semaphore_mem>>
      tpu.enqueue_dma source(%arg4 : memref<64xf32, #tpu.memory_space<hbm>>) target(%arg8 : memref<64xf32, #tpu.memory_space<vmem>>) target_semaphore(%run_scoped3A : memref<!tpu.dma_semaphore, #tpu.memory_space<semaphore_mem>>)
      tpu.wait_dma2 semaphore(%run_scoped3A : memref<!tpu.dma_semaphore, #tpu.memory_space<semaphore_mem>>) src(%arg4 : memref<64xf32, #tpu.memory_space<hbm>>) dst(%arg8 : memref<64xf32, #tpu.memory_space<vmem>>)
      tpu.yield
    }) : () -> ()
    %iota3A = tpu.iota {dimensions = array<i32: 0>} : vector<16xi32>
    %get3A = arith.constant 0 : index
    %get3A_3 = tpu.vector_load %arg8[%get3A] {strides = array<i32>} : memref<64xf32, #tpu.memory_space<vmem>>, vector<16xf32>,
    %mul3A_4 = arith.constant -1.000000e+00 : f32
    %mul3A_5 = vector.broadcast %mul3A_4 : f32 to vector<16xf32>
    %mul3A_6 = arith.mulf %get3A_3, %mul3A_5 : vector<16xf32>
    %get3A_7 = arith.constant 16 : index
    %get3A_8 = tpu.vector_load %arg8[%get3A_7] {strides = array<i32>} : memref<64xf32, #tpu.memory_space<vmem>>, vector<16xf32>,
    %mul3A_9 = arith.constant -1.000000e+00 : f32
    %mul3A_10 = vector.broadcast %mul3A_9 : f32 to vector<16xf32>
    %mul3A_11 = arith.mulf %get3A_8, %mul3A_10 : vector<16xf32>
    %get3A_12 = arith.constant 32 : index
    %get3A_13 = tpu.vector_load %arg8[%get3A_12] {strides = array<i32>} : memref<64xf32, #tpu.memory_space<vmem>>, vector<16xf32>,
    %mul3A_14 = arith.constant -1.000000e+00 : f32
    %mul3A_15 = vector.broadcast %mul3A_14 : f32 to vector<16xf32>
    %mul3A_16 = arith.mulf %get3A_13, %mul3A_15 : vector<16xf32>
    %get3A_17 = arith.constant 48 : index
    %get3A_18 = tpu.vector_load %arg8[%get3A_17] {strides = array<i32>} : memref<64xf32, #tpu.memory_space<vmem>>, vector<16xf32>,
    %mul3A_19 = arith.constant -1.000000e+00 : f32
    %mul3A_20 = vector.broadcast %mul3A_19 : f32 to vector<16xf32>
    %mul3A_21 = arith.mulf %get3A_18, %mul3A_20 : vector<16xf32>
    %add3A_22 = arith.constant 0 : i32
    %add3A_23 = vector.broadcast %add3A_22 : i32 to vector<16xi32>
    %add3A_24 = arith.addi %iota3A, %add3A_23 : vector<16xi32>
    %add3A_25 = arith.constant 16 : i32
    %add3A_26 = vector.broadcast %add3A_25 : i32 to vector<16xi32>
    %add3A_27 = arith.addi %iota3A, %add3A_26 : vector<16xi32>
    %add3A_28 = arith.constant 32 : i32
    %add3A_29 = vector.broadcast %add3A_28 : i32 to vector<16xi32>
    %add3A_30 = arith.addi %iota3A, %add3A_29 : vector<16xi32>
    %add3A_31 = arith.constant 48 : i32
    %add3A_32 = vector.broadcast %add3A_31 : i32 to vector<16xi32>
    %add3A_33 = arith.addi %iota3A, %add3A_32 : vector<16xi32>
    %broadcast_in_dim3A = arith.constant 63 : i32
    %broadcast_in_dim3A_34 = vector.broadcast %broadcast_in_dim3A : i32 to vector<16xi32>
    %broadcast_in_dim3A_35 = arith.constant -64 : i32
    %broadcast_in_dim3A_36 = vector.broadcast %broadcast_in_dim3A_35 : i32 to vector<16xi32>
    %add3A_37 = arith.constant 0 : i32
    %add3A_38 = arith.addi %mul3A_2, %add3A_37 : i32
    "tpu.region"() ({
      %run_scoped3A = tpu.sem_alloc : memref<!tpu.dma_semaphore, #tpu.memory_space<semaphore_mem>>
      %dma_start3A = arith.constant 0 : i32
      %dma_start3A_46 = tpu.memref_slice %arg3[%add3A_38, %dma_start3A] : memref<16384x64xf32, #tpu.memory_space<hbm>> -> memref<256x64xf32, #tpu.memory_space<hbm>>
      %dma_start3A_47 = arith.constant 0 : i32
      %dma_start3A_48 = tpu.memref_slice %arg3[%add3A_38, %dma_start3A_47] : memref<16384x64xf32, #tpu.memory_space<hbm>> -> memref<256x64xf32, #tpu.memory_space<hbm>>
      tpu.enqueue_dma source(%dma_start3A_48 : memref<256x64xf32, #tpu.memory_space<hbm>>) target(%arg6 : memref<256x64xf32, #tpu.memory_space<vmem>>) target_semaphore(%run_scoped3A : memref<!tpu.dma_semaphore, #tpu.memory_space<semaphore_mem>>)
      %dma_wait3A = arith.constant 0 : i32
      %dma_wait3A_49 = tpu.memref_slice %arg3[%add3A_38, %dma_wait3A] : memref<16384x64xf32, #tpu.memory_space<hbm>> -> memref<256x64xf32, #tpu.memory_space<hbm>>
      %dma_wait3A_50 = arith.constant 0 : i32
      %dma_wait3A_51 = tpu.memref_slice %arg3[%add3A_38, %dma_wait3A_50] : memref<16384x64xf32, #tpu.memory_space<hbm>> -> memref<256x64xf32, #tpu.memory_space<hbm>>
      tpu.wait_dma2 semaphore(%run_scoped3A : memref<!tpu.dma_semaphore, #tpu.memory_space<semaphore_mem>>) src(%dma_wait3A_51 : memref<256x64xf32, #tpu.memory_space<hbm>>) dst(%arg6 : memref<256x64xf32, #tpu.memory_space<vmem>>)
      tpu.yield
    }) : () -> ()
    "tpu.region"() ({
      %run_scoped3A = tpu.sem_alloc : memref<!tpu.dma_semaphore, #tpu.memory_space<semaphore_mem>>
      %dma_start3A = arith.constant 0 : i32
      %dma_start3A_46 = tpu.memref_slice %arg2[%add3A_38, %dma_start3A] : memref<16384x64xf32, #tpu.memory_space<hbm>> -> memref<256x64xf32, #tpu.memory_space<hbm>>
      %dma_start3A_47 = arith.constant 0 : i32
      %dma_start3A_48 = tpu.memref_slice %arg2[%add3A_38, %dma_start3A_47] : memref<16384x64xf32, #tpu.memory_space<hbm>> -> memref<256x64xf32, #tpu.memory_space<hbm>>
      tpu.enqueue_dma source(%dma_start3A_48 : memref<256x64xf32, #tpu.memory_space<hbm>>) target(%arg7 : memref<256x64xf32, #tpu.memory_space<vmem>>) target_semaphore(%run_scoped3A : memref<!tpu.dma_semaphore, #tpu.memory_space<semaphore_mem>>)
      %dma_wait3A = arith.constant 0 : i32
      %dma_wait3A_49 = tpu.memref_slice %arg2[%add3A_38, %dma_wait3A] : memref<16384x64xf32, #tpu.memory_space<hbm>> -> memref<256x64xf32, #tpu.memory_space<hbm>>
      %dma_wait3A_50 = arith.constant 0 : i32
      %dma_wait3A_51 = tpu.memref_slice %arg2[%add3A_38, %dma_wait3A_50] : memref<16384x64xf32, #tpu.memory_space<hbm>> -> memref<256x64xf32, #tpu.memory_space<hbm>>
      tpu.wait_dma2 semaphore(%run_scoped3A : memref<!tpu.dma_semaphore, #tpu.memory_space<semaphore_mem>>) src(%dma_wait3A_51 : memref<256x64xf32, #tpu.memory_space<hbm>>) dst(%arg7 : memref<256x64xf32, #tpu.memory_space<vmem>>)
      tpu.yield
    }) : () -> ()
    %parallel_loop3A = arith.constant 0 : i32
    %parallel_loop3A_39 = arith.constant 256 : i32
    %parallel_loop3A_40 = arith.constant 1 : i32
    scf.for %parallel_loop3A_46 = %parallel_loop3A to %parallel_loop3A_39 step %parallel_loop3A_40  : i32 {
      %parallel_loop3A_47 = arith.index_cast %parallel_loop3A_46 : i32 to index
      %parallel_loop3A_48 = arith.constant 0 : index
      %parallel_loop3A_49 = tpu.vector_load %arg6[%parallel_loop3A_47, %parallel_loop3A_48] {strides = array<i32>} : memref<256x64xf32, #tpu.memory_space<vmem>>, vector<16xf32>,
      %parallel_loop3A_50 = vector.bitcast %parallel_loop3A_49 : vector<16xf32> to vector<16xi32>
      %parallel_loop3A_51 = arith.andi %parallel_loop3A_50, %broadcast_in_dim3A_36 : vector<16xi32>
      %parallel_loop3A_52 = arith.ori %parallel_loop3A_51, %add3A_24 : vector<16xi32>
      %parallel_loop3A_53 = vector.bitcast %parallel_loop3A_52 : vector<16xi32> to vector<16xf32>
      %parallel_loop3A_54 = arith.index_cast %parallel_loop3A_46 : i32 to index
      %parallel_loop3A_55 = arith.constant 16 : index
      %parallel_loop3A_56 = tpu.vector_load %arg6[%parallel_loop3A_54, %parallel_loop3A_55] {strides = array<i32>} : memref<256x64xf32, #tpu.memory_space<vmem>>, vector<16xf32>,
      %parallel_loop3A_57 = vector.bitcast %parallel_loop3A_56 : vector<16xf32> to vector<16xi32>
      %parallel_loop3A_58 = arith.andi %parallel_loop3A_57, %broadcast_in_dim3A_36 : vector<16xi32>
      %parallel_loop3A_59 = arith.ori %parallel_loop3A_58, %add3A_27 : vector<16xi32>
      %parallel_loop3A_60 = vector.bitcast %parallel_loop3A_59 : vector<16xi32> to vector<16xf32>
      %parallel_loop3A_61 = arith.index_cast %parallel_loop3A_46 : i32 to index
      %parallel_loop3A_62 = arith.constant 32 : index
      %parallel_loop3A_63 = tpu.vector_load %arg6[%parallel_loop3A_61, %parallel_loop3A_62] {strides = array<i32>} : memref<256x64xf32, #tpu.memory_space<vmem>>, vector<16xf32>,
      %parallel_loop3A_64 = vector.bitcast %parallel_loop3A_63 : vector<16xf32> to vector<16xi32>
      %parallel_loop3A_65 = arith.andi %parallel_loop3A_64, %broadcast_in_dim3A_36 : vector<16xi32>
      %parallel_loop3A_66 = arith.ori %parallel_loop3A_65, %add3A_30 : vector<16xi32>
      %parallel_loop3A_67 = vector.bitcast %parallel_loop3A_66 : vector<16xi32> to vector<16xf32>
      %parallel_loop3A_68 = arith.index_cast %parallel_loop3A_46 : i32 to index
      %parallel_loop3A_69 = arith.constant 48 : index
      %parallel_loop3A_70 = tpu.vector_load %arg6[%parallel_loop3A_68, %parallel_loop3A_69] {strides = array<i32>} : memref<256x64xf32, #tpu.memory_space<vmem>>, vector<16xf32>,
      %parallel_loop3A_71 = vector.bitcast %parallel_loop3A_70 : vector<16xf32> to vector<16xi32>
      %parallel_loop3A_72 = arith.andi %parallel_loop3A_71, %broadcast_in_dim3A_36 : vector<16xi32>
      %parallel_loop3A_73 = arith.ori %parallel_loop3A_72, %add3A_33 : vector<16xi32>
      %parallel_loop3A_74 = vector.bitcast %parallel_loop3A_73 : vector<16xi32> to vector<16xf32>
      %parallel_loop3A_75 = arith.constant dense<true> : vector<16xi1>
      %parallel_loop3A_76, %parallel_loop3A_77, %parallel_loop3A_78 = tpu.sort %parallel_loop3A_53, %parallel_loop3A_53 masked %parallel_loop3A_75 {descending = true} : (vector<16xf32>, vector<16xf32>, vector<16xi1>) -> (vector<16xi1>, vector<16xf32>, vector<16xf32>)
      %parallel_loop3A_79 = arith.constant dense<true> : vector<16xi1>
      %parallel_loop3A_80, %parallel_loop3A_81, %parallel_loop3A_82 = tpu.sort %parallel_loop3A_60, %parallel_loop3A_60 masked %parallel_loop3A_79 {descending = true} : (vector<16xf32>, vector<16xf32>, vector<16xi1>) -> (vector<16xi1>, vector<16xf32>, vector<16xf32>)
      %parallel_loop3A_83 = arith.constant dense<true> : vector<16xi1>
      %parallel_loop3A_84, %parallel_loop3A_85, %parallel_loop3A_86 = tpu.sort %parallel_loop3A_67, %parallel_loop3A_67 masked %parallel_loop3A_83 {descending = true} : (vector<16xf32>, vector<16xf32>, vector<16xi1>) -> (vector<16xi1>, vector<16xf32>, vector<16xf32>)
      %parallel_loop3A_87 = arith.constant dense<true> : vector<16xi1>
      %parallel_loop3A_88, %parallel_loop3A_89, %parallel_loop3A_90 = tpu.sort %parallel_loop3A_74, %parallel_loop3A_74 masked %parallel_loop3A_87 {descending = true} : (vector<16xf32>, vector<16xf32>, vector<16xi1>) -> (vector<16xi1>, vector<16xf32>, vector<16xf32>)
      %parallel_loop3A_91 = arith.constant 15 : i32
      %parallel_loop3A_92 = vector.broadcast %parallel_loop3A_91 : i32 to vector<16xi32>
      %parallel_loop3A_93 = tpu.iota {dimensions = array<i32: 0>} : vector<16xi32>
      %parallel_loop3A_94 = arith.subi %parallel_loop3A_92, %parallel_loop3A_93 : vector<16xi32>
      %parallel_loop3A_95 = tpu.dynamic_gather %parallel_loop3A_81[%parallel_loop3A_94] in [0] : vector<16xf32>, vector<16xi32> -> vector<16xf32>
      %parallel_loop3A_96 = arith.maximumf %parallel_loop3A_77, %parallel_loop3A_95 : vector<16xf32>
      %parallel_loop3A_97 = arith.constant dense<true> : vector<16xi1>
      %parallel_loop3A_98, %parallel_loop3A_99, %parallel_loop3A_100 = tpu.sort %parallel_loop3A_96, %parallel_loop3A_96 masked %parallel_loop3A_97 {descending = true} : (vector<16xf32>, vector<16xf32>, vector<16xi1>) -> (vector<16xi1>, vector<16xf32>, vector<16xf32>)
      %parallel_loop3A_101 = arith.minimumf %parallel_loop3A_77, %parallel_loop3A_95 : vector<16xf32>
      %parallel_loop3A_102 = arith.constant dense<true> : vector<16xi1>
      %parallel_loop3A_103, %parallel_loop3A_104, %parallel_loop3A_105 = tpu.sort %parallel_loop3A_101, %parallel_loop3A_101 masked %parallel_loop3A_102 {descending = true} : (vector<16xf32>, vector<16xf32>, vector<16xi1>) -> (vector<16xi1>, vector<16xf32>, vector<16xf32>)
      %parallel_loop3A_106 = arith.constant 15 : i32
      %parallel_loop3A_107 = vector.broadcast %parallel_loop3A_106 : i32 to vector<16xi32>
      %parallel_loop3A_108 = tpu.iota {dimensions = array<i32: 0>} : vector<16xi32>
      %parallel_loop3A_109 = arith.subi %parallel_loop3A_107, %parallel_loop3A_108 : vector<16xi32>
      %parallel_loop3A_110 = tpu.dynamic_gather %parallel_loop3A_89[%parallel_loop3A_109] in [0] : vector<16xf32>, vector<16xi32> -> vector<16xf32>
      %parallel_loop3A_111 = arith.maximumf %parallel_loop3A_85, %parallel_loop3A_110 : vector<16xf32>
      %parallel_loop3A_112 = arith.constant dense<true> : vector<16xi1>
      %parallel_loop3A_113, %parallel_loop3A_114, %parallel_loop3A_115 = tpu.sort %parallel_loop3A_111, %parallel_loop3A_111 masked %parallel_loop3A_112 {descending = true} : (vector<16xf32>, vector<16xf32>, vector<16xi1>) -> (vector<16xi1>, vector<16xf32>, vector<16xf32>)
      %parallel_loop3A_116 = arith.minimumf %parallel_loop3A_85, %parallel_loop3A_110 : vector<16xf32>
      %parallel_loop3A_117 = arith.constant dense<true> : vector<16xi1>
      %parallel_loop3A_118, %parallel_loop3A_119, %parallel_loop3A_120 = tpu.sort %parallel_loop3A_116, %parallel_loop3A_116 masked %parallel_loop3A_117 {descending = true} : (vector<16xf32>, vector<16xf32>, vector<16xi1>) -> (vector<16xi1>, vector<16xf32>, vector<16xf32>)
      %parallel_loop3A_121 = arith.constant 15 : i32
      %parallel_loop3A_122 = vector.broadcast %parallel_loop3A_121 : i32 to vector<16xi32>
      %parallel_loop3A_123 = tpu.iota {dimensions = array<i32: 0>} : vector<16xi32>
      %parallel_loop3A_124 = arith.subi %parallel_loop3A_122, %parallel_loop3A_123 : vector<16xi32>
      %parallel_loop3A_125 = tpu.dynamic_gather %parallel_loop3A_119[%parallel_loop3A_124] in [0] : vector<16xf32>, vector<16xi32> -> vector<16xf32>
      %parallel_loop3A_126 = arith.constant 15 : i32
      %parallel_loop3A_127 = vector.broadcast %parallel_loop3A_126 : i32 to vector<16xi32>
      %parallel_loop3A_128 = tpu.iota {dimensions = array<i32: 0>} : vector<16xi32>
      %parallel_loop3A_129 = arith.subi %parallel_loop3A_127, %parallel_loop3A_128 : vector<16xi32>
      %parallel_loop3A_130 = tpu.dynamic_gather %parallel_loop3A_114[%parallel_loop3A_129] in [0] : vector<16xf32>, vector<16xi32> -> vector<16xf32>
      %parallel_loop3A_131 = arith.maximumf %parallel_loop3A_99, %parallel_loop3A_125 : vector<16xf32>
      %parallel_loop3A_132 = arith.maximumf %parallel_loop3A_104, %parallel_loop3A_130 : vector<16xf32>
      %parallel_loop3A_133 = arith.minimumf %parallel_loop3A_99, %parallel_loop3A_125 : vector<16xf32>
      %parallel_loop3A_134 = arith.minimumf %parallel_loop3A_104, %parallel_loop3A_130 : vector<16xf32>
      %parallel_loop3A_135 = arith.maximumf %parallel_loop3A_131, %parallel_loop3A_132 : vector<16xf32>
      %parallel_loop3A_136 = arith.constant dense<true> : vector<16xi1>
      %parallel_loop3A_137, %parallel_loop3A_138, %parallel_loop3A_139 = tpu.sort %parallel_loop3A_135, %parallel_loop3A_135 masked %parallel_loop3A_136 {descending = true} : (vector<16xf32>, vector<16xf32>, vector<16xi1>) -> (vector<16xi1>, vector<16xf32>, vector<16xf32>)
      %parallel_loop3A_140 = arith.minimumf %parallel_loop3A_131, %parallel_loop3A_132 : vector<16xf32>
      %parallel_loop3A_141 = arith.constant dense<true> : vector<16xi1>
      %parallel_loop3A_142, %parallel_loop3A_143, %parallel_loop3A_144 = tpu.sort %parallel_loop3A_140, %parallel_loop3A_140 masked %parallel_loop3A_141 {descending = true} : (vector<16xf32>, vector<16xf32>, vector<16xi1>) -> (vector<16xi1>, vector<16xf32>, vector<16xf32>)
      %parallel_loop3A_145 = arith.maximumf %parallel_loop3A_133, %parallel_loop3A_134 : vector<16xf32>
      %parallel_loop3A_146 = arith.constant dense<true> : vector<16xi1>
      %parallel_loop3A_147, %parallel_loop3A_148, %parallel_loop3A_149 = tpu.sort %parallel_loop3A_145, %parallel_loop3A_145 masked %parallel_loop3A_146 {descending = true} : (vector<16xf32>, vector<16xf32>, vector<16xi1>) -> (vector<16xi1>, vector<16xf32>, vector<16xf32>)
      %parallel_loop3A_150 = arith.minimumf %parallel_loop3A_133, %parallel_loop3A_134 : vector<16xf32>
      %parallel_loop3A_151 = arith.constant dense<true> : vector<16xi1>
      %parallel_loop3A_152, %parallel_loop3A_153, %parallel_loop3A_154 = tpu.sort %parallel_loop3A_150, %parallel_loop3A_150 masked %parallel_loop3A_151 {descending = true} : (vector<16xf32>, vector<16xf32>, vector<16xi1>) -> (vector<16xi1>, vector<16xf32>, vector<16xf32>)
      %parallel_loop3A_155 = vector.broadcast %parallel_loop3A_46 : i32 to vector<16xi32>
      %parallel_loop3A_156 = vector.bitcast %parallel_loop3A_138 : vector<16xf32> to vector<16xi32>
      %parallel_loop3A_157 = arith.andi %parallel_loop3A_156, %broadcast_in_dim3A_34 : vector<16xi32>
      tpu.vector_store_idx %arg7[%parallel_loop3A_155, %parallel_loop3A_157], %mul3A_6 {add = true} : memref<256x64xf32, #tpu.memory_space<vmem>>[vector<16xi32>, vector<16xi32>], vector<16xf32>,
      %parallel_loop3A_158 = vector.bitcast %parallel_loop3A_143 : vector<16xf32> to vector<16xi32>
      %parallel_loop3A_159 = arith.andi %parallel_loop3A_158, %broadcast_in_dim3A_34 : vector<16xi32>
      tpu.vector_store_idx %arg7[%parallel_loop3A_155, %parallel_loop3A_159], %mul3A_11 {add = true} : memref<256x64xf32, #tpu.memory_space<vmem>>[vector<16xi32>, vector<16xi32>], vector<16xf32>,
      %parallel_loop3A_160 = vector.bitcast %parallel_loop3A_148 : vector<16xf32> to vector<16xi32>
      %parallel_loop3A_161 = arith.andi %parallel_loop3A_160, %broadcast_in_dim3A_34 : vector<16xi32>
      tpu.vector_store_idx %arg7[%parallel_loop3A_155, %parallel_loop3A_161], %mul3A_16 {add = true} : memref<256x64xf32, #tpu.memory_space<vmem>>[vector<16xi32>, vector<16xi32>], vector<16xf32>,
      %parallel_loop3A_162 = vector.bitcast %parallel_loop3A_153 : vector<16xf32> to vector<16xi32>
      %parallel_loop3A_163 = arith.andi %parallel_loop3A_162, %broadcast_in_dim3A_34 : vector<16xi32>
      tpu.vector_store_idx %arg7[%parallel_loop3A_155, %parallel_loop3A_163], %mul3A_21 {add = true} : memref<256x64xf32, #tpu.memory_space<vmem>>[vector<16xi32>, vector<16xi32>], vector<16xf32>,
    } {sc.loop_unroll_factor = 2 : i64, sc.parallel_access}
    "tpu.region"() ({
      %run_scoped3A = tpu.sem_alloc : memref<!tpu.dma_semaphore, #tpu.memory_space<semaphore_mem>>
      %dma_start3A = arith.constant 0 : i32
      %dma_start3A_46 = tpu.memref_slice %arg5[%add3A_38, %dma_start3A] : memref<16384x64xf32, #tpu.memory_space<hbm>> -> memref<256x64xf32, #tpu.memory_space<hbm>>
      %dma_start3A_47 = arith.constant 0 : i32
      %dma_start3A_48 = tpu.memref_slice %arg5[%add3A_38, %dma_start3A_47] : memref<16384x64xf32, #tpu.memory_space<hbm>> -> memref<256x64xf32, #tpu.memory_space<hbm>>
      tpu.enqueue_dma source(%arg7 : memref<256x64xf32, #tpu.memory_space<vmem>>) target(%dma_start3A_48 : memref<256x64xf32, #tpu.memory_space<hbm>>) target_semaphore(%run_scoped3A : memref<!tpu.dma_semaphore, #tpu.memory_space<semaphore_mem>>)
      %dma_wait3A = arith.constant 0 : i32
      %dma_wait3A_49 = tpu.memref_slice %arg5[%add3A_38, %dma_wait3A] : memref<16384x64xf32, #tpu.memory_space<hbm>> -> memref<256x64xf32, #tpu.memory_space<hbm>>
      %dma_wait3A_50 = arith.constant 0 : i32
      %dma_wait3A_51 = tpu.memref_slice %arg5[%add3A_38, %dma_wait3A_50] : memref<16384x64xf32, #tpu.memory_space<hbm>> -> memref<256x64xf32, #tpu.memory_space<hbm>>
      tpu.wait_dma2 semaphore(%run_scoped3A : memref<!tpu.dma_semaphore, #tpu.memory_space<semaphore_mem>>) src(%arg7 : memref<256x64xf32, #tpu.memory_space<vmem>>) dst(%dma_wait3A_51 : memref<256x64xf32, #tpu.memory_space<hbm>>)
      tpu.yield
    }) : () -> ()
    %add3A_41 = arith.constant 256 : i32
    %add3A_42 = arith.addi %mul3A_2, %add3A_41 : i32
    "tpu.region"() ({
      %run_scoped3A = tpu.sem_alloc : memref<!tpu.dma_semaphore, #tpu.memory_space<semaphore_mem>>
      %dma_start3A = arith.constant 0 : i32
      %dma_start3A_46 = tpu.memref_slice %arg3[%add3A_42, %dma_start3A] : memref<16384x64xf32, #tpu.memory_space<hbm>> -> memref<256x64xf32, #tpu.memory_space<hbm>>
      %dma_start3A_47 = arith.constant 0 : i32
      %dma_start3A_48 = tpu.memref_slice %arg3[%add3A_42, %dma_start3A_47] : memref<16384x64xf32, #tpu.memory_space<hbm>> -> memref<256x64xf32, #tpu.memory_space<hbm>>
      tpu.enqueue_dma source(%dma_start3A_48 : memref<256x64xf32, #tpu.memory_space<hbm>>) target(%arg6 : memref<256x64xf32, #tpu.memory_space<vmem>>) target_semaphore(%run_scoped3A : memref<!tpu.dma_semaphore, #tpu.memory_space<semaphore_mem>>)
      %dma_wait3A = arith.constant 0 : i32
      %dma_wait3A_49 = tpu.memref_slice %arg3[%add3A_42, %dma_wait3A] : memref<16384x64xf32, #tpu.memory_space<hbm>> -> memref<256x64xf32, #tpu.memory_space<hbm>>
      %dma_wait3A_50 = arith.constant 0 : i32
      %dma_wait3A_51 = tpu.memref_slice %arg3[%add3A_42, %dma_wait3A_50] : memref<16384x64xf32, #tpu.memory_space<hbm>> -> memref<256x64xf32, #tpu.memory_space<hbm>>
      tpu.wait_dma2 semaphore(%run_scoped3A : memref<!tpu.dma_semaphore, #tpu.memory_space<semaphore_mem>>) src(%dma_wait3A_51 : memref<256x64xf32, #tpu.memory_space<hbm>>) dst(%arg6 : memref<256x64xf32, #tpu.memory_space<vmem>>)
      tpu.yield
    }) : () -> ()
    "tpu.region"() ({
      %run_scoped3A = tpu.sem_alloc : memref<!tpu.dma_semaphore, #tpu.memory_space<semaphore_mem>>
      %dma_start3A = arith.constant 0 : i32
      %dma_start3A_46 = tpu.memref_slice %arg2[%add3A_42, %dma_start3A] : memref<16384x64xf32, #tpu.memory_space<hbm>> -> memref<256x64xf32, #tpu.memory_space<hbm>>
      %dma_start3A_47 = arith.constant 0 : i32
      %dma_start3A_48 = tpu.memref_slice %arg2[%add3A_42, %dma_start3A_47] : memref<16384x64xf32, #tpu.memory_space<hbm>> -> memref<256x64xf32, #tpu.memory_space<hbm>>
      tpu.enqueue_dma source(%dma_start3A_48 : memref<256x64xf32, #tpu.memory_space<hbm>>) target(%arg7 : memref<256x64xf32, #tpu.memory_space<vmem>>) target_semaphore(%run_scoped3A : memref<!tpu.dma_semaphore, #tpu.memory_space<semaphore_mem>>)
      %dma_wait3A = arith.constant 0 : i32
      %dma_wait3A_49 = tpu.memref_slice %arg2[%add3A_42, %dma_wait3A] : memref<16384x64xf32, #tpu.memory_space<hbm>> -> memref<256x64xf32, #tpu.memory_space<hbm>>
      %dma_wait3A_50 = arith.constant 0 : i32
      %dma_wait3A_51 = tpu.memref_slice %arg2[%add3A_42, %dma_wait3A_50] : memref<16384x64xf32, #tpu.memory_space<hbm>> -> memref<256x64xf32, #tpu.memory_space<hbm>>
      tpu.wait_dma2 semaphore(%run_scoped3A : memref<!tpu.dma_semaphore, #tpu.memory_space<semaphore_mem>>) src(%dma_wait3A_51 : memref<256x64xf32, #tpu.memory_space<hbm>>) dst(%arg7 : memref<256x64xf32, #tpu.memory_space<vmem>>)
      tpu.yield
    }) : () -> ()
    %parallel_loop3A_43 = arith.constant 0 : i32
    %parallel_loop3A_44 = arith.constant 256 : i32
    %parallel_loop3A_45 = arith.constant 1 : i32
    scf.for %parallel_loop3A_46 = %parallel_loop3A_43 to %parallel_loop3A_44 step %parallel_loop3A_45  : i32 {
      %parallel_loop3A_47 = arith.index_cast %parallel_loop3A_46 : i32 to index
      %parallel_loop3A_48 = arith.constant 0 : index
      %parallel_loop3A_49 = tpu.vector_load %arg6[%parallel_loop3A_47, %parallel_loop3A_48] {strides = array<i32>} : memref<256x64xf32, #tpu.memory_space<vmem>>, vector<16xf32>,
      %parallel_loop3A_50 = vector.bitcast %parallel_loop3A_49 : vector<16xf32> to vector<16xi32>
      %parallel_loop3A_51 = arith.andi %parallel_loop3A_50, %broadcast_in_dim3A_36 : vector<16xi32>
      %parallel_loop3A_52 = arith.ori %parallel_loop3A_51, %add3A_24 : vector<16xi32>
      %parallel_loop3A_53 = vector.bitcast %parallel_loop3A_52 : vector<16xi32> to vector<16xf32>
      %parallel_loop3A_54 = arith.index_cast %parallel_loop3A_46 : i32 to index
      %parallel_loop3A_55 = arith.constant 16 : index
      %parallel_loop3A_56 = tpu.vector_load %arg6[%parallel_loop3A_54, %parallel_loop3A_55] {strides = array<i32>} : memref<256x64xf32, #tpu.memory_space<vmem>>, vector<16xf32>,
      %parallel_loop3A_57 = vector.bitcast %parallel_loop3A_56 : vector<16xf32> to vector<16xi32>
      %parallel_loop3A_58 = arith.andi %parallel_loop3A_57, %broadcast_in_dim3A_36 : vector<16xi32>
      %parallel_loop3A_59 = arith.ori %parallel_loop3A_58, %add3A_27 : vector<16xi32>
      %parallel_loop3A_60 = vector.bitcast %parallel_loop3A_59 : vector<16xi32> to vector<16xf32>
      %parallel_loop3A_61 = arith.index_cast %parallel_loop3A_46 : i32 to index
      %parallel_loop3A_62 = arith.constant 32 : index
      %parallel_loop3A_63 = tpu.vector_load %arg6[%parallel_loop3A_61, %parallel_loop3A_62] {strides = array<i32>} : memref<256x64xf32, #tpu.memory_space<vmem>>, vector<16xf32>,
      %parallel_loop3A_64 = vector.bitcast %parallel_loop3A_63 : vector<16xf32> to vector<16xi32>
      %parallel_loop3A_65 = arith.andi %parallel_loop3A_64, %broadcast_in_dim3A_36 : vector<16xi32>
      %parallel_loop3A_66 = arith.ori %parallel_loop3A_65, %add3A_30 : vector<16xi32>
      %parallel_loop3A_67 = vector.bitcast %parallel_loop3A_66 : vector<16xi32> to vector<16xf32>
      %parallel_loop3A_68 = arith.index_cast %parallel_loop3A_46 : i32 to index
      %parallel_loop3A_69 = arith.constant 48 : index
      %parallel_loop3A_70 = tpu.vector_load %arg6[%parallel_loop3A_68, %parallel_loop3A_69] {strides = array<i32>} : memref<256x64xf32, #tpu.memory_space<vmem>>, vector<16xf32>,
      %parallel_loop3A_71 = vector.bitcast %parallel_loop3A_70 : vector<16xf32> to vector<16xi32>
      %parallel_loop3A_72 = arith.andi %parallel_loop3A_71, %broadcast_in_dim3A_36 : vector<16xi32>
      %parallel_loop3A_73 = arith.ori %parallel_loop3A_72, %add3A_33 : vector<16xi32>
      %parallel_loop3A_74 = vector.bitcast %parallel_loop3A_73 : vector<16xi32> to vector<16xf32>
      %parallel_loop3A_75 = arith.constant dense<true> : vector<16xi1>
      %parallel_loop3A_76, %parallel_loop3A_77, %parallel_loop3A_78 = tpu.sort %parallel_loop3A_53, %parallel_loop3A_53 masked %parallel_loop3A_75 {descending = true} : (vector<16xf32>, vector<16xf32>, vector<16xi1>) -> (vector<16xi1>, vector<16xf32>, vector<16xf32>)
      %parallel_loop3A_79 = arith.constant dense<true> : vector<16xi1>
      %parallel_loop3A_80, %parallel_loop3A_81, %parallel_loop3A_82 = tpu.sort %parallel_loop3A_60, %parallel_loop3A_60 masked %parallel_loop3A_79 {descending = true} : (vector<16xf32>, vector<16xf32>, vector<16xi1>) -> (vector<16xi1>, vector<16xf32>, vector<16xf32>)
      %parallel_loop3A_83 = arith.constant dense<true> : vector<16xi1>
      %parallel_loop3A_84, %parallel_loop3A_85, %parallel_loop3A_86 = tpu.sort %parallel_loop3A_67, %parallel_loop3A_67 masked %parallel_loop3A_83 {descending = true} : (vector<16xf32>, vector<16xf32>, vector<16xi1>) -> (vector<16xi1>, vector<16xf32>, vector<16xf32>)
      %parallel_loop3A_87 = arith.constant dense<true> : vector<16xi1>
      %parallel_loop3A_88, %parallel_loop3A_89, %parallel_loop3A_90 = tpu.sort %parallel_loop3A_74, %parallel_loop3A_74 masked %parallel_loop3A_87 {descending = true} : (vector<16xf32>, vector<16xf32>, vector<16xi1>) -> (vector<16xi1>, vector<16xf32>, vector<16xf32>)
      %parallel_loop3A_91 = arith.constant 15 : i32
      %parallel_loop3A_92 = vector.broadcast %parallel_loop3A_91 : i32 to vector<16xi32>
      %parallel_loop3A_93 = tpu.iota {dimensions = array<i32: 0>} : vector<16xi32>
      %parallel_loop3A_94 = arith.subi %parallel_loop3A_92, %parallel_loop3A_93 : vector<16xi32>
      %parallel_loop3A_95 = tpu.dynamic_gather %parallel_loop3A_81[%parallel_loop3A_94] in [0] : vector<16xf32>, vector<16xi32> -> vector<16xf32>
      %parallel_loop3A_96 = arith.maximumf %parallel_loop3A_77, %parallel_loop3A_95 : vector<16xf32>
      %parallel_loop3A_97 = arith.constant dense<true> : vector<16xi1>
      %parallel_loop3A_98, %parallel_loop3A_99, %parallel_loop3A_100 = tpu.sort %parallel_loop3A_96, %parallel_loop3A_96 masked %parallel_loop3A_97 {descending = true} : (vector<16xf32>, vector<16xf32>, vector<16xi1>) -> (vector<16xi1>, vector<16xf32>, vector<16xf32>)
      %parallel_loop3A_101 = arith.minimumf %parallel_loop3A_77, %parallel_loop3A_95 : vector<16xf32>
      %parallel_loop3A_102 = arith.constant dense<true> : vector<16xi1>
      %parallel_loop3A_103, %parallel_loop3A_104, %parallel_loop3A_105 = tpu.sort %parallel_loop3A_101, %parallel_loop3A_101 masked %parallel_loop3A_102 {descending = true} : (vector<16xf32>, vector<16xf32>, vector<16xi1>) -> (vector<16xi1>, vector<16xf32>, vector<16xf32>)
      %parallel_loop3A_106 = arith.constant 15 : i32
      %parallel_loop3A_107 = vector.broadcast %parallel_loop3A_106 : i32 to vector<16xi32>
      %parallel_loop3A_108 = tpu.iota {dimensions = array<i32: 0>} : vector<16xi32>
      %parallel_loop3A_109 = arith.subi %parallel_loop3A_107, %parallel_loop3A_108 : vector<16xi32>
      %parallel_loop3A_110 = tpu.dynamic_gather %parallel_loop3A_89[%parallel_loop3A_109] in [0] : vector<16xf32>, vector<16xi32> -> vector<16xf32>
      %parallel_loop3A_111 = arith.maximumf %parallel_loop3A_85, %parallel_loop3A_110 : vector<16xf32>
      %parallel_loop3A_112 = arith.constant dense<true> : vector<16xi1>
      %parallel_loop3A_113, %parallel_loop3A_114, %parallel_loop3A_115 = tpu.sort %parallel_loop3A_111, %parallel_loop3A_111 masked %parallel_loop3A_112 {descending = true} : (vector<16xf32>, vector<16xf32>, vector<16xi1>) -> (vector<16xi1>, vector<16xf32>, vector<16xf32>)
      %parallel_loop3A_116 = arith.minimumf %parallel_loop3A_85, %parallel_loop3A_110 : vector<16xf32>
      %parallel_loop3A_117 = arith.constant dense<true> : vector<16xi1>
      %parallel_loop3A_118, %parallel_loop3A_119, %parallel_loop3A_120 = tpu.sort %parallel_loop3A_116, %parallel_loop3A_116 masked %parallel_loop3A_117 {descending = true} : (vector<16xf32>, vector<16xf32>, vector<16xi1>) -> (vector<16xi1>, vector<16xf32>, vector<16xf32>)
      %parallel_loop3A_121 = arith.constant 15 : i32
      %parallel_loop3A_122 = vector.broadcast %parallel_loop3A_121 : i32 to vector<16xi32>
      %parallel_loop3A_123 = tpu.iota {dimensions = array<i32: 0>} : vector<16xi32>
      %parallel_loop3A_124 = arith.subi %parallel_loop3A_122, %parallel_loop3A_123 : vector<16xi32>
      %parallel_loop3A_125 = tpu.dynamic_gather %parallel_loop3A_119[%parallel_loop3A_124] in [0] : vector<16xf32>, vector<16xi32> -> vector<16xf32>
      %parallel_loop3A_126 = arith.constant 15 : i32
      %parallel_loop3A_127 = vector.broadcast %parallel_loop3A_126 : i32 to vector<16xi32>
      %parallel_loop3A_128 = tpu.iota {dimensions = array<i32: 0>} : vector<16xi32>
      %parallel_loop3A_129 = arith.subi %parallel_loop3A_127, %parallel_loop3A_128 : vector<16xi32>
      %parallel_loop3A_130 = tpu.dynamic_gather %parallel_loop3A_114[%parallel_loop3A_129] in [0] : vector<16xf32>, vector<16xi32> -> vector<16xf32>
      %parallel_loop3A_131 = arith.maximumf %parallel_loop3A_99, %parallel_loop3A_125 : vector<16xf32>
      %parallel_loop3A_132 = arith.maximumf %parallel_loop3A_104, %parallel_loop3A_130 : vector<16xf32>
      %parallel_loop3A_133 = arith.minimumf %parallel_loop3A_99, %parallel_loop3A_125 : vector<16xf32>
      %parallel_loop3A_134 = arith.minimumf %parallel_loop3A_104, %parallel_loop3A_130 : vector<16xf32>
      %parallel_loop3A_135 = arith.maximumf %parallel_loop3A_131, %parallel_loop3A_132 : vector<16xf32>
      %parallel_loop3A_136 = arith.constant dense<true> : vector<16xi1>
      %parallel_loop3A_137, %parallel_loop3A_138, %parallel_loop3A_139 = tpu.sort %parallel_loop3A_135, %parallel_loop3A_135 masked %parallel_loop3A_136 {descending = true} : (vector<16xf32>, vector<16xf32>, vector<16xi1>) -> (vector<16xi1>, vector<16xf32>, vector<16xf32>)
      %parallel_loop3A_140 = arith.minimumf %parallel_loop3A_131, %parallel_loop3A_132 : vector<16xf32>
      %parallel_loop3A_141 = arith.constant dense<true> : vector<16xi1>
      %parallel_loop3A_142, %parallel_loop3A_143, %parallel_loop3A_144 = tpu.sort %parallel_loop3A_140, %parallel_loop3A_140 masked %parallel_loop3A_141 {descending = true} : (vector<16xf32>, vector<16xf32>, vector<16xi1>) -> (vector<16xi1>, vector<16xf32>, vector<16xf32>)
      %parallel_loop3A_145 = arith.maximumf %parallel_loop3A_133, %parallel_loop3A_134 : vector<16xf32>
      %parallel_loop3A_146 = arith.constant dense<true> : vector<16xi1>
      %parallel_loop3A_147, %parallel_loop3A_148, %parallel_loop3A_149 = tpu.sort %parallel_loop3A_145, %parallel_loop3A_145 masked %parallel_loop3A_146 {descending = true} : (vector<16xf32>, vector<16xf32>, vector<16xi1>) -> (vector<16xi1>, vector<16xf32>, vector<16xf32>)
      %parallel_loop3A_150 = arith.minimumf %parallel_loop3A_133, %parallel_loop3A_134 : vector<16xf32>
      %parallel_loop3A_151 = arith.constant dense<true> : vector<16xi1>
      %parallel_loop3A_152, %parallel_loop3A_153, %parallel_loop3A_154 = tpu.sort %parallel_loop3A_150, %parallel_loop3A_150 masked %parallel_loop3A_151 {descending = true} : (vector<16xf32>, vector<16xf32>, vector<16xi1>) -> (vector<16xi1>, vector<16xf32>, vector<16xf32>)
      %parallel_loop3A_155 = vector.broadcast %parallel_loop3A_46 : i32 to vector<16xi32>
      %parallel_loop3A_156 = vector.bitcast %parallel_loop3A_138 : vector<16xf32> to vector<16xi32>
      %parallel_loop3A_157 = arith.andi %parallel_loop3A_156, %broadcast_in_dim3A_34 : vector<16xi32>
      tpu.vector_store_idx %arg7[%parallel_loop3A_155, %parallel_loop3A_157], %mul3A_6 {add = true} : memref<256x64xf32, #tpu.memory_space<vmem>>[vector<16xi32>, vector<16xi32>], vector<16xf32>,
      %parallel_loop3A_158 = vector.bitcast %parallel_loop3A_143 : vector<16xf32> to vector<16xi32>
      %parallel_loop3A_159 = arith.andi %parallel_loop3A_158, %broadcast_in_dim3A_34 : vector<16xi32>
      tpu.vector_store_idx %arg7[%parallel_loop3A_155, %parallel_loop3A_159], %mul3A_11 {add = true} : memref<256x64xf32, #tpu.memory_space<vmem>>[vector<16xi32>, vector<16xi32>], vector<16xf32>,
      %parallel_loop3A_160 = vector.bitcast %parallel_loop3A_148 : vector<16xf32> to vector<16xi32>
      %parallel_loop3A_161 = arith.andi %parallel_loop3A_160, %broadcast_in_dim3A_34 : vector<16xi32>
      tpu.vector_store_idx %arg7[%parallel_loop3A_155, %parallel_loop3A_161], %mul3A_16 {add = true} : memref<256x64xf32, #tpu.memory_space<vmem>>[vector<16xi32>, vector<16xi32>], vector<16xf32>,
      %parallel_loop3A_162 = vector.bitcast %parallel_loop3A_153 : vector<16xf32> to vector<16xi32>
      %parallel_loop3A_163 = arith.andi %parallel_loop3A_162, %broadcast_in_dim3A_34 : vector<16xi32>
      tpu.vector_store_idx %arg7[%parallel_loop3A_155, %parallel_loop3A_163], %mul3A_21 {add = true} : memref<256x64xf32, #tpu.memory_space<vmem>>[vector<16xi32>, vector<16xi32>], vector<16xf32>,
    } {sc.loop_unroll_factor = 2 : i64, sc.parallel_access}
    "tpu.region"() ({
      %run_scoped3A = tpu.sem_alloc : memref<!tpu.dma_semaphore, #tpu.memory_space<semaphore_mem>>
      %dma_start3A = arith.constant 0 : i32
      %dma_start3A_46 = tpu.memref_slice %arg5[%add3A_42, %dma_start3A] : memref<16384x64xf32, #tpu.memory_space<hbm>> -> memref<256x64xf32, #tpu.memory_space<hbm>>
      %dma_start3A_47 = arith.constant 0 : i32
      %dma_start3A_48 = tpu.memref_slice %arg5[%add3A_42, %dma_start3A_47] : memref<16384x64xf32, #tpu.memory_space<hbm>> -> memref<256x64xf32, #tpu.memory_space<hbm>>
      tpu.enqueue_dma source(%arg7 : memref<256x64xf32, #tpu.memory_space<vmem>>) target(%dma_start3A_48 : memref<256x64xf32, #tpu.memory_space<hbm>>) target_semaphore(%run_scoped3A : memref<!tpu.dma_semaphore, #tpu.memory_space<semaphore_mem>>)
      %dma_wait3A = arith.constant 0 : i32
      %dma_wait3A_49 = tpu.memref_slice %arg5[%add3A_42, %dma_wait3A] : memref<16384x64xf32, #tpu.memory_space<hbm>> -> memref<256x64xf32, #tpu.memory_space<hbm>>
      %dma_wait3A_50 = arith.constant 0 : i32
      %dma_wait3A_51 = tpu.memref_slice %arg5[%add3A_42, %dma_wait3A_50] : memref<16384x64xf32, #tpu.memory_space<hbm>> -> memref<256x64xf32, #tpu.memory_space<hbm>>
      tpu.wait_dma2 semaphore(%run_scoped3A : memref<!tpu.dma_semaphore, #tpu.memory_space<semaphore_mem>>) src(%arg7 : memref<256x64xf32, #tpu.memory_space<vmem>>) dst(%dma_wait3A_51 : memref<256x64xf32, #tpu.memory_space<hbm>>)
      tpu.yield
    }) : () -> ()
    return
  }
}

</mosaic_0001>

<sc_bundles>
// kernel: kernel.3.cloned.1.call-start
scs
__scs_entry_jumppad:
0x0: {  	(pc) =	sbr.rel $0x88, $3  }
0x1: {  	(tag) =	ssettag $0x0;
	lr =	simm.s32 $0x1  }
0x2: {  	[smem:$0x3F9E] =	sst lr;
	_ =	strace $0xD0000000  }
0x3: {  	_ = 	snop  }
0x4: {  	_ = 	snop  }
0x5: {  	_ = 	snop  }
0x6: {  	_ = 	snop  }
0x7: {  	_ = 	snop  }
__scs_overlays_trampoline_lowered:
0x8: {  	[smem:$0x3FAD] =	sst s0  }
0x9: {  	[smem:$0x3FAE] =	sst s1  }
0xa: {  	[smem:$0x3FAF] =	sst s2  }
0xb: {  	[smem:$0x3FB0] =	sst s3  }
0xc: {  	[smem:$0x3FB1] =	sst s4  }
0xd: {  	[smem:$0x3FB2] =	sst s5  }
0xe: {  	[smem:$0x3FB3] =	sst s6  }
0xf: {  	[smem:$0x3FB4] =	sst s7  }
0x10: {  	[smem:$0x3FB5] =	sst s8  }
0x11: {  	[smem:$0x3FB6] =	sst s9;
	s0 =	simm.s32 @!p0 $0x0  }
0x12: {  	s1 =	sld [smem:$0x3F9C];
	s0 =	simm.s32 @p0 $0x1  }
0x13: {  	[smem:$0x3FB7] =	sst s0;
	s0 =	simm.s32 @!p1 $0x0  }
0x14: {  	s2 =	sld [smem:$0x3F9B];
	s0 =	simm.s32 @p1 $0x1  }
0x15: {  	[smem:$0x3FB8] =	sst s0;
	s0 =	simm.s32 @!p2 $0x0  }
0x16: {  	s3 =	sld [smem:$0x3FDB];
	s0 =	simm.s32 @p2 $0x1  }
0x17: {  	s4 =	simm.s32 $0x1BF5;
	[smem:$0x3FBA] =	sst s0  }
0x18: {  	s0 =	sld [smem:$0x3F9D];
	_ =	swait.ge [sflag:s4], $0x0  }
0x19: {  	s7 =	sld [smem:$0x3F9E]  }
0x1a: {  	s8 =	sadd.s32 $0xFFFFE003, lr  }
0x1b: {  	s9 =	sadd.s32 $0xFFFFFEF7, lr;
	s5 =	simm.s32 $0xFFFFFFFF;
	p2 =	slt.u32 s8, $0xFFFFF086  }
0x1c: {  	p1 =	slt.u32 s9, $0xF7A;
	s5 =	simm.s32 @!p2 $0x0  }
0x1d: {  	s5 =	simm.s32 @p1 $0x1;
	p0 =	seq.s32 s7, s2  }
0x1e: {  	s7 =	smul.u32 @!p0 $0xF7A, s2;
	p2 =	seq.s32 @!p0 s5, $0x0  }
0x1f: {  	s9 =	smul.u32 $0xF7A, s1;
	s8 =	simm.s32 @!p0 $0x1BF5;
	p2 =	por !p2, p0  }
0x20: {  	[sflag:s8] =	ssyncset.s32 @!p0 $0xFFFFF086;
	s6 =	sadd.s32 @!p0 s3, s7;
	s7 =	simm.s32 @!p0 $0x108  }
0x21: {  	s3 =	sadd.s32 s3, s9;
	s6 =	sadd.s32 @!p0 $0x88, s6;
	s7 =	simm.s32 @p2 $0x1082  }
0x22: {  	[simem:s7], [sflag:s8] =	dma.local @!p0 [hbm:s6], $0xF7A  }
0x23: {  	s9 =	sor.u32 $0xD0000000, s2;
	s6 =	simm.s32 $0x108;
	_ =	swait.ge @!p0 [sflag:s8], $0x0  }
0x24: {  	s3 =	sadd.s32 $0x88, s3;
	s6 =	simm.s32 @!p1 $0x1082;
	[sflag:s4] =	ssyncset.s32 $0xFFFFF086  }
0x25: {  	[simem:s6], [sflag:s4] =	dma.local [hbm:s3], $0xF7A  }
0x26: {  	[smem:$0x3F9E] =	sst s1;
	(tag) =	ssettag s2;
	_ =	strace s9  }
0x27: {  	s1 =	sld [smem:$0x3FAE]  }
0x28: {  	s2 =	sld [smem:$0x3FAF]  }
0x29: {  	s4 =	sld [smem:$0x3FB1]  }
0x2a: {  	p0 =	seq.s32 s5, $0x0;
	s5 =	sld [smem:$0x3FB2]  }
0x2b: {  	s6 =	sld [smem:$0x3FB3]  }
0x2c: {  	s7 =	sld [smem:$0x3FB4]  }
0x2d: {  	s3 =	simm.s32 $0x108;
	s8 =	sld [smem:$0x3FB5]  }
0x2e: {  	s3 =	simm.s32 @!p0 $0x1082;
	s9 =	sld [smem:$0x3FB6]  }
0x2f: {  	lr =	sadd.s32 s0, s3;
	s0 =	sld [smem:$0x3FAD]  }
0x30: {  	s3 =	sld [smem:$0x3FB0]  }
0x31: {  	[smem:$0x3FB9] =	sst s10  }
0x32: {  	s10 =	sld [smem:$0x3FB7];
	_ =	sdelay $0x3  }
0x33: {  	p0 =	seq.s32 s10, $0x1;
	s10 =	sld [smem:$0x3FB9];
	_ =	sdelay $0x3  }
0x34: {  	[smem:$0x3FB9] =	sst s10  }
0x35: {  	s10 =	sld [smem:$0x3FB8];
	_ =	sdelay $0x3  }
0x36: {  	p1 =	seq.s32 s10, $0x1;
	s10 =	sld [smem:$0x3FB9];
	_ =	sdelay $0x3  }
0x37: {  	[smem:$0x3FB9] =	sst s10  }
0x38: {  	s10 =	sld [smem:$0x3FBA]  }
0x39: {  	_ = 	snop;
	(pc) =	sbr.ind lr, $3  }
0x3a: {  	_ = 	snop  }
0x3b: {  	_ = 	snop  }
0x3c: {  	p2 =	seq.s32 s10, $0x1;
	s10 =	sld [smem:$0x3FB9]  }
0x3d: {  	_ =	shalt  }
0x3e: {  	_ =	shalt  }
0x3f: {  	_ =	shalt  }
0x40: {  	_ =	shalt  }
0x41: {  	_ =	shalt  }
0x42: {  	_ =	shalt  }
0x43: {  	_ =	shalt  }
0x44: {  	_ =	shalt  }
0x45: {  	_ =	shalt  }
0x46: {  	_ =	shalt  }
0x47: {  	_ =	shalt  }
0x48: {  	_ =	shalt  }
0x49: {  	_ =	shalt  }
0x4a: {  	_ =	shalt  }
0x4b: {  	_ =	shalt  }
0x4c: {  	_ =	shalt  }
0x4d: {  	_ =	shalt  }
0x4e: {  	_ =	shalt  }
0x4f: {  	_ =	shalt  }
0x50: {  	_ =	shalt  }
0x51: {  	_ =	shalt  }
0x52: {  	_ =	shalt  }
0x53: {  	_ =	shalt  }
0x54: {  	_ =	shalt  }
0x55: {  	_ =	shalt  }
0x56: {  	_ =	shalt  }
0x57: {  	_ =	shalt  }
0x58: {  	_ =	shalt  }
0x59: {  	_ =	shalt  }
0x5a: {  	_ =	shalt  }
0x5b: {  	_ =	shalt  }
0x5c: {  	_ =	shalt  }
0x5d: {  	_ =	shalt  }
0x5e: {  	_ =	shalt  }
0x5f: {  	_ =	shalt  }
0x60: {  	_ =	shalt  }
0x61: {  	_ =	shalt  }
0x62: {  	_ =	shalt  }
0x63: {  	_ =	shalt  }
0x64: {  	_ =	shalt  }
0x65: {  	_ =	shalt  }
0x66: {  	_ =	shalt  }
0x67: {  	_ =	shalt  }
0x68: {  	_ =	shalt  }
0x69: {  	_ =	shalt  }
0x6a: {  	_ =	shalt  }
0x6b: {  	_ =	shalt  }
0x6c: {  	_ =	shalt  }
0x6d: {  	_ =	shalt  }
0x6e: {  	_ =	shalt  }
0x6f: {  	_ =	shalt  }
0x70: {  	_ =	shalt  }
0x71: {  	_ =	shalt  }
0x72: {  	_ =	shalt  }
0x73: {  	_ =	shalt  }
0x74: {  	_ =	shalt  }
0x75: {  	_ =	shalt  }
0x76: {  	_ =	shalt  }
0x77: {  	_ =	shalt  }
0x78: {  	_ =	shalt  }
0x79: {  	_ =	shalt  }
0x7a: {  	_ =	shalt  }
0x7b: {  	_ =	shalt  }
0x7c: {  	_ =	shalt  }
0x7d: {  	_ =	shalt  }
0x7e: {  	_ =	shalt  }
0x7f: {  	_ =	shalt  }
0x80: {  	_ =	shalt  }
0x81: {  	_ =	shalt  }
0x82: {  	_ =	shalt  }
0x83: {  	_ =	shalt  }
0x84: {  	_ =	shalt  }
0x85: {  	_ =	shalt  }
0x86: {  	_ =	shalt  }
0x87: {  	_ =	shalt  }
.Lfunc_end0:
.L_simem_size_0:
called_computation_lowered:
.L_overlay_start_0:
0x88: {  	s2 =	sld [smem:$0x3FD9]  }
0x89: {  	s3 =	sld [smem:$0x3FFE];
	_ =	sdelay $0x1  }
0x8a: {  	s1 =	srdreg.scid  }
0x8b: {  	s0 =	sand.u32 $0x1, s1  }
0x8c: {  	s17 =	sshll.u32 s0, $0xA;
	s2 =	sadd.s32 s3, s2  }
0x8d: {  	s2 =	sadd.s32 s2, s17  }
0x8e: {  	[smem:$0x3FC5] =	sst s2  }
0x8f: {  	_ = 	snop  }
0x90: {  	s2 =	sld [smem:$0x3FC7];
	(tm) =	ssettm $0x1  }
0x91: {  	s18 =	sld [smem:$0x3FFB];
	_ =	sdelay $0x3  }
0x92: {  	_ =	strace s18  }
0x93: {  	s3 =	sld [smem:$0x3FFC];
	_ =	sdelay $0x3  }
0x94: {  	_ =	strace s3  }
0x95: {  	s3 =	sld [smem:$0x3FFD];
	_ =	sdelay $0x3  }
0x96: {  	_ =	strace s3  }
0x97: {  	_ =	strace $0x8FFFFFFF  }
0x98: {  	s19 =	sld [smem:$0x3FDB];
	_ =	sdelay $0x1  }
0x99: {  	s4 =	simm.s32 $_scs_section_size  }
0x9a: {  	s5 =	simm.s32 $_size__tile_overlayer_lowered;
	s6 =	simm.s32 $_tile_overlayer_lowered  }
0x9b: {  	s22 =	simm.s32 $0x1BFF;
	s21 =	sshll.u32 s6, $0x1;
	s3 =	sadd.s32 s4, s19  }
0x9c: {  	s7 =	simm.s32 $0x0;
	s20 =	sshll.u32 s5, $0x1;
	s5 =	sadd.s32 s21, s3  }
0x9d: {  	[timem:s7], [sflag:s22] =	dma.local [hbm:s5], s20  }
0x9e: {  	_ =	swait.ge [sflag:s22], s20  }
0x9f: {  	s4 =	ssub.s32 $0x0, s20;
	[sflag:s22] =	ssyncset.done $0x0  }
0xa0: {  	[sflag:s22] =	ssyncadd.s32 s4;
	_ =	sdelay $0x1  }
0xa1: {  	s23 =	simm.s32 $0x1B8B  }
0xa2: {  	_ =	swait.ge [sflag:s23], $0x1  }
0xa3: {  	[sflag:s23] =	ssyncset.done $0x0  }
0xa4: {  	s25 =	simm.s32 $0x1B8E;
	s24 =	sld [smem:$0x3FFE];
	[sflag:s23] =	ssyncadd.s32 $0xFFFFFFFF  }
0xa5: {  	s26 =	simm.s32 $execute0_lowered;
	[smem:$0x3FD2] =	sst s25  }
0xa6: {  	s5 =	sshll.u32 s26, $0x1;
	_ =	strace $0x80000046;
	[dreg:$0x1] =	wrdreg $0xFFFFFFFF  }
0xa7: {  	s28 =	simm.s32 $_size_execute0_lowered;
	s3 =	sadd.s32 s3, s5;
	[dreg:$0x0] =	wrdreg $0x0  }
0xa8: {  	s5 =	sshll.u32 s28, $0x1;
	[dreg:$0x2] =	wrdreg s3  }
0xa9: {  	[dreg:$0x3] =	wrdreg s5  }
0xaa: {  	[dreg:$0x4] =	wrdreg $0xC0  }
0xab: {  	_ =	task [dreg:s7], $0x5FFFF  }
0xac: {  	[dreg:$0x1] =	wrdreg $0xFFFFFFFF  }
0xad: {  	[dreg:$0x0] =	wrdreg $0x60  }
0xae: {  	[dreg:$0x2] =	wrdreg s24  }
0xaf: {  	[dreg:$0x3] =	wrdreg s2  }
0xb0: {  	[dreg:$0x4] =	wrdreg $0x9  }
0xb1: {  	_ =	task.clear_ibuf [dreg:s7], $0x5FFFF;
	_ =	strace $0x90000046  }
0xb2: {  	s29 =	simm.s32 $0x9;
	_ =	strace $0x80000048  }
0xb3: {  	_ =	swait.ge [sflag:s29], $0x1  }
0xb4: {  	[sflag:s29] =	ssyncadd.s32 $0xFFFFFFFF  }
0xb5: {  	_ =	strace $0x90000048  }
0xb6: {  	_ =	sfence  }
0xb7: {  	s30 =	sld [smem:$0x0];
	_ =	sdelay $0x2  }
0xb8: {  	s31 =	sshll.u32 s1, $0xD;
	s1 =	sshrl.u32 s1, $0x2  }
0xb9: {  	s3 =	sand.u32 $0x4000, s31;
	s1 =	sadd.s32 s1, s30  }
0xba: {  	s0 =	sor.u32 s3, s0;
	s1 =	sshll.u32 s1, $0x11  }
0xbb: {  	s0 =	sor.u32 s1, s0  }
0xbc: {  	s0 =	sadd.s32 $0x8F2B, s0  }
0xbd: {  	[sflag:s0] =	ssyncadd.remote.s32 $0x1  }
0xbe: {  	_ =	sfence.sel $0xFFFF  }
0xbf: {  	[dreg:$0x0] =	wrdreg $0xFFFFFFFF;
	(pc) =	sbr.abs _section_cstart, $3  }
0xc0: {  	[dreg:$0x1] =	wrdreg $0xFFFFFFFF  }
0xc1: {  	_ =	task.clear_ibuf [dreg:s7], $0x2FFFF;
	_ =	strace $0x9FFFFFFF  }
0xc2: {  	(tm) =	ssettm $0x7FFFFFFF  }
0xc3: {  	_ =	shalt  }
tec
execute0_lowered:
.L_overlay_start_1:
0x0: {  	(tag) =	ssettag $0x1  }
0x1: {  	s4 =	rddreg [dreg:$0x0]  }
0x2: {  	s1 =	rddreg [dreg:$0x1]  }
0x3: {  	s0 =	rddreg [dreg:$0x2]  }
0x4: {  	s2 =	simm.s32 $0x0;
	s3 =	srdreg.scid;
	s13 =	simm.s32 $0x8000  }
0x5: {  	s14 =	simm.s32 $0x0;
	[smem:$0x7FF] =	sst s2;
	s8 =	sadd.s32 $0x600, s4  }
0x6: {  	s5 =	sand.u32 $0x1, s3;
	s7 =	sadd.s32 $0x40600, s4;
	s3 =	stileid.u32  }
0x7: {  	s6 =	ssub.s32 $0x2, s5;
	s10 =	sshll.u32 s3, $0xE;
	s5 =	sshll.u32 s5, $0xD  }
0x8: {  	s11 =	sadd.s32 $0x80600, s4;
	s9 =	sshrl.u32 s6, $0x1;
	s30 =	sor.u32 s5, s10  }
0x9: {  	v0 =	vlaneseq.u32;
	_ =	strace $0x80000047;
	s12 =	ssub.s32 s6, s9;
	s4 =	sadd.s32 s7, s30  }
0xa: {  	v4 =	vmul.u32 $0xFFFFFFFF, v0;
	s5 =	sadd.s32 s8, s30;
	s31 =	sor.u32 $0x1000, s30;
	s6 =	sadd.s32 s11, s30  }
0xb: {  	v1 =	vor.u32 $0x10, v0;
	s7 =	sadd.s32 s7, s31;
	s8 =	sadd.s32 s8, s31;
	s9 =	sadd.s32 s11, s31  }
0xc: {  	v2 =	vor.u32 $0x20, v0;
	v3 =	vor.u32 $0x30, v0;
	v4 =	vadd.s32 $0xF, v4;
	s10 =	smax.u32 s12, $0x1;
	s11 =	simm.s32 $0x10000;
	s12 =	simm.s32 $0x1  }
.LBB2_1:
0xd: {  	[tilespmem:s11], [sflag:$0x1] =	stream.linear.gather [hbm4b:s1+s2], $0x80, $0x38;
	[tilespmem:$0x10080] =	vst v63  }
0xe: {  	_ =	swait.ge [sflag:s12], $0x80  }
0xf: {  	[sflag:s12] =	ssyncset.done $0x0  }
0x10: {  	[sflag:s12] =	ssyncadd.s32 $0xFFFFFF80  }
0x11: {  	v5 =	vld [tilespmem:$0x10000]  }
0x12: {  	v6 =	vld [tilespmem:$0x10010]  }
0x13: {  	v7 =	vld [tilespmem:$0x10020]  }
0x14: {  	v8 =	vld [tilespmem:$0x10030];
	[tilespmem:s2], [sflag:$0x1] =	stream.linear.gather [hbm4b:s4+s2], $0x8000, $0x38  }
0x15: {  	_ =	swait.ge [sflag:s12], $0x8000  }
0x16: {  	[sflag:s12] =	ssyncset.done $0x0  }
0x17: {  	[sflag:s12] =	ssyncadd.s32 $0xFFFF8000  }
0x18: {  	[tilespmem:s13], [sflag:$0x1] =	stream.linear.gather [hbm4b:s5+s2], $0x8000, $0x38;
	[tilespmem:$0x10080] =	vst v63  }
0x19: {  	_ =	swait.ge [sflag:s12], $0x8000  }
0x1a: {  	[sflag:s12] =	ssyncset.done $0x0  }
0x1b: {  	s15 =	simm.s32 $0x80;
	[sflag:s12] =	ssyncadd.s32 $0xFFFF8000  }
0x1c: {  	v9 =	vld [tilespmem:s15+$0xFFFFFF90]  }
0x1d: {  	v10 =	vld [tilespmem:s15+$0x30]  }
0x1e: {  	v11 =	vld [tilespmem:s15+$0xFFFFFFB0]  }
0x1f: {  	v12 =	vld [tilespmem:s15+$0x20];
	_ =	sdelay $0x1  }
0x20: {  	v13 =	vld [tilespmem:s15+$0xFFFFFFA0];
	v9 =	vand.u32 $0xFFFFFFC0, v9  }
0x21: {  	v10 =	vand.u32 $0xFFFFFFC0, v10;
	v9 =	vor.u32 v1, v9  }
0x22: {  	(xrf1) =	vsort.dscd.msk.f32 $0xffff, v9, v9;
	v9 =	vor.u32 v3, v10;
	v10 =	vand.u32 $0xFFFFFFC0, v11  }
0x23: {  	v11 =	vand.u32 $0xFFFFFFC0, v12;
	v10 =	vor.u32 v3, v10;
	(xrf1) =	vsort.dscd.msk.f32 $0xffff, v9, v9  }
0x24: {  	v9 =	vor.u32 v2, v11;
	(xrf1) =	vsort.dscd.msk.f32 $0xffff, v10, v10  }
0x25: {  	v10 =	vand.u32 $0xFFFFFFC0, v13;
	(xrf1) =	vsort.dscd.msk.f32 $0xffff, v9, v9  }
0x26: {  	v9 =	vor.u32 v2, v10  }
0x27: {  	v10 =	vld [tilespmem:s15+$0x0];
	(xrf1) =	vsort.dscd.msk.f32 $0xffff, v9, v9  }
0x28: {  	v9 =	vld [tilespmem:s15+$0x10];
	_ =	sdelay $0x4  }
0x29: {  	v11 =	vld [tilespmem:s15+$0xFFFFFF80];
	v10 =	vand.u32 $0xFFFFFFC0, v10;
	v9 =	vand.u32 $0xFFFFFFC0, v9  }
0x2a: {  	s28 =	simm.s32 $0x180;
	v10 =	vor.u32 v0, v10;
	v9 =	vor.u32 v1, v9  }
0x2b: {  	(xrf1) =	vsort.dscd.msk.f32 $0xffff, v9, v9;
	v9 =	vld [tilespmem:s28+$0xFFFFFF90]  }
0x2c: {  	v12, _, _ =	vpop (xrf1)  }
0x2d: {  	v13 =	vld [tilespmem:s28+$0x30];
	(xrf1) =	vsort.dscd.msk.f32 $0xffff, v10, v10;
	v10, _, _ =	vpop (xrf1)  }
0x2e: {  	v14 =	vld [tilespmem:s28+$0xFFFFFFB0];
	v11 =	vand.u32 $0xFFFFFFC0, v11;
	v10 =	vperm.xlane v10, v4;
	v15, _, _ =	vpop (xrf1)  }
0x2f: {  	v16 =	vld [tilespmem:s28+$0x20];
	v11 =	vor.u32 v0, v11;
	v17, _, _ =	vpop (xrf1)  }
0x30: {  	v18 =	vld [tilespmem:s28+$0xFFFFFFA0];
	(xrf1) =	vsort.dscd.msk.f32 $0xffff, v11, v11;
	v9 =	vand.u32 $0xFFFFFFC0, v9;
	v15 =	vperm.xlane v15, v4;
	v11 =	vmax.f32 v17, v10  }
0x31: {  	v9 =	vor.u32 v1, v9;
	v19, _, _ =	vpop (xrf1);
	(xrf1) =	vsort.dscd.msk.f32 $0xffff, v11, v11  }
0x32: {  	v11 =	vand.u32 $0xFFFFFFC0, v13;
	(xrf1) =	vsort.dscd.msk.f32 $0xffff, v9, v9;
	v9 =	vmax.f32 v19, v15  }
0x33: {  	v11 =	vor.u32 v3, v11;
	(xrf1) =	vsort.dscd.msk.f32 $0xffff, v9, v9;
	v9 =	vand.u32 $0xFFFFFFC0, v14  }
0x34: {  	v9 =	vor.u32 v3, v9;
	(xrf1) =	vsort.dscd.msk.f32 $0xffff, v11, v11  }
0x35: {  	v13 =	vand.u32 $0xFFFFFFC0, v16;
	(xrf1) =	vsort.dscd.msk.f32 $0xffff, v9, v9;
	v9 =	vand.u32 $0xFFFFFFC0, v18  }
0x36: {  	v13 =	vor.u32 v2, v13;
	v11 =	vld [tilespmem:s28+$0x10];
	v9 =	vor.u32 v2, v9  }
0x37: {  	(xrf1) =	vsort.dscd.msk.f32 $0xffff, v13, v13;
	v13 =	vld [tilespmem:s28+$0x0];
	_ =	sdelay $0x1  }
0x38: {  	(xrf1) =	vsort.dscd.msk.f32 $0xffff, v9, v9;
	v9, _, _ =	vpop (xrf1)  }
0x39: {  	v14 =	vld [tilespmem:s28+$0xFFFFFF80];
	v9 =	vperm.xlane v9, v4  }
0x3a: {  	v10 =	vmin.f32 v17, v10;
	v16, _, _ =	vpop (xrf1)  }
0x3b: {  	v11 =	vand.u32 $0xFFFFFFC0, v11;
	(xrf1) =	vsort.dscd.msk.f32 $0xffff, v10, v10;
	v10 =	vand.u32 $0xFFFFFFC0, v13;
	v13 =	vmin.f32 v16, v9  }
0x3c: {  	v11 =	vor.u32 v1, v11  }
0x3d: {  	(xrf1) =	vsort.dscd.msk.f32 $0xffff, v11, v11  }
0x3e: {  	v11 =	vand.u32 $0xFFFFFFC0, v14;
	v10 =	vor.u32 v0, v10;
	(xrf1) =	vsort.dscd.msk.f32 $0xffff, v13, v13;
	v13, _, _ =	vpop (xrf1)  }
0x3f: {  	s29 =	simm.s32 $0x280;
	v11 =	vor.u32 v0, v11;
	(xrf1) =	vsort.dscd.msk.f32 $0xffff, v10, v10;
	v10 =	vperm.xlane v12, v4;
	v12, _, _ =	vpop (xrf1)  }
0x40: {  	(xrf1) =	vsort.dscd.msk.f32 $0xffff, v11, v11;
	v11 =	vmin.f32 v19, v15;
	v15 =	vld [tilespmem:s29+$0xFFFFFF90];
	v14, _, _ =	vpop (xrf1)  }
0x41: {  	v9 =	vmax.f32 v16, v9;
	v16, _, _ =	vpop (xrf1)  }
0x42: {  	(xrf1) =	vsort.dscd.msk.f32 $0xffff, v9, v9;
	v9 =	vmax.f32 v13, v10;
	v10 =	vmin.f32 v13, v10;
	v13, _, _ =	vpop (xrf1)  }
0x43: {  	(xrf1) =	vsort.dscd.msk.f32 $0xffff, v11, v11;
	v11 =	vld [tilespmem:s29+$0x30];
	v13 =	vperm.xlane v13, v4;
	v17, _, _ =	vpop (xrf1)  }
0x44: {  	(xrf1) =	vsort.dscd.msk.f32 $0xffff, v9, v9;
	v9 =	vld [tilespmem:s29+$0xFFFFFFB0];
	v18, _, _ =	vpop (xrf1)  }
0x45: {  	(xrf1) =	vsort.dscd.msk.f32 $0xffff, v10, v10;
	v10 =	vld [tilespmem:s29+$0x20];
	v15 =	vand.u32 $0xFFFFFFC0, v15;
	v17 =	vperm.xlane v17, v4;
	v19 =	vmax.f32 v18, v13  }
0x46: {  	v15 =	vor.u32 v1, v15;
	v20, _, _ =	vpop (xrf1);
	(xrf1) =	vsort.dscd.msk.f32 $0xffff, v19, v19  }
0x47: {  	(xrf1) =	vsort.dscd.msk.f32 $0xffff, v15, v15;
	v15 =	vmax.f32 v20, v17  }
0x48: {  	v24 =	vld [tilespmem:s29+$0xFFFFFF80];
	v11 =	vand.u32 $0xFFFFFFC0, v11  }
0x49: {  	v19 =	vld [tilespmem:s29+$0xFFFFFFA0];
	v11 =	vor.u32 v3, v11;
	v9 =	vand.u32 $0xFFFFFFC0, v9;
	(xrf1) =	vsort.dscd.msk.f32 $0xffff, v15, v15  }
0x4a: {  	v10 =	vand.u32 $0xFFFFFFC0, v10;
	v9 =	vor.u32 v3, v9;
	(xrf1) =	vsort.dscd.msk.f32 $0xffff, v11, v11;
	v15, _, _ =	vpop (xrf1)  }
0x4b: {  	v10 =	vor.u32 v2, v10;
	v21, _, _ =	vpop (xrf1);
	(xrf1) =	vsort.dscd.msk.f32 $0xffff, v9, v9  }
0x4c: {  	v11 =	vld [tilespmem:s29+$0x10];
	v22, _, _ =	vpop (xrf1);
	(xrf1) =	vsort.dscd.msk.f32 $0xffff, v10, v10  }
0x4d: {  	v9 =	vld [tilespmem:s29+$0x0]  }
0x4e: {  	v24 =	vand.u32 $0xFFFFFFC0, v24;
	v10 =	vand.u32 $0xFFFFFFC0, v19;
	v19, _, _ =	vpop (xrf1)  }
0x4f: {  	v24 =	vor.u32 v0, v24;
	v12 =	vperm.xlane v12, v4;
	v10 =	vor.u32 v2, v10;
	v23, _, _ =	vpop (xrf1)  }
0x50: {  	v16 =	vperm.xlane v16, v4;
	v13 =	vmin.f32 v18, v13;
	v25, _, _ =	vpop (xrf1);
	(xrf1) =	vsort.dscd.msk.f32 $0xffff, v10, v10  }
0x51: {  	v15 =	vperm.xlane v15, v4;
	v11 =	vand.u32 $0xFFFFFFC0, v11;
	v10 =	vperm.xlane v21, v4;
	v21, _, _ =	vpop (xrf1)  }
0x52: {  	v11 =	vor.u32 v1, v11;
	v9 =	vand.u32 $0xFFFFFFC0, v9;
	(xrf1) =	vsort.dscd.msk.f32 $0xffff, v13, v13;
	v18, _, _ =	vpop (xrf1);
	v13 =	vperm.xlane v21, v4  }
0x53: {  	v9 =	vor.u32 v0, v9;
	v21 =	vmin.f32 v19, v10;
	(xrf1) =	vsort.dscd.msk.f32 $0xffff, v11, v11;
	v26, _, _ =	vpop (xrf1)  }
0x54: {  	(xrf1) =	vsort.dscd.msk.f32 $0xffff, v21, v21;
	v11 =	vmax.f32 v26, v16;
	v21 =	vmax.f32 v18, v13  }
0x55: {  	v10 =	vmax.f32 v19, v10;
	(xrf1) =	vsort.dscd.msk.f32 $0xffff, v9, v9;
	v9 =	vmax.f32 v21, v11;
	v19, _, _ =	vpop (xrf1)  }
0x56: {  	s30 =	simm.s32 $0x380;
	v14 =	vperm.xlane v14, v4;
	v17 =	vmin.f32 v20, v17;
	(xrf1) =	vsort.dscd.msk.f32 $0xffff, v9, v9;
	v27, _, _ =	vpop (xrf1)  }
0x57: {  	v29 =	vld [tilespmem:s30+$0xFFFFFF90];
	v28 =	vmax.f32 v25, v15;
	v9 =	vmax.f32 v22, v12;
	(xrf1) =	vsort.dscd.msk.f32 $0xffff, v24, v24;
	v24, _, _ =	vpop (xrf1)  }
0x58: {  	v20 =	vmin.f32 v23, v14;
	(xrf1) =	vsort.dscd.msk.f32 $0xffff, v10, v10;
	v10 =	vmin.f32 v28, v9;
	v30, _, _ =	vpop (xrf1)  }
0x59: {  	(xrf1) =	vsort.dscd.msk.f32 $0xffff, v10, v10;
	v10 =	vmax.f32 v23, v14;
	v14 =	vperm.xlane v30, v4;
	v23, _, _ =	vpop (xrf1)  }
0x5a: {  	(xrf1) =	vsort.dscd.msk.f32 $0xffff, v17, v17;
	v17, _, _ =	vpop (xrf1)  }
0x5b: {  	v15 =	vmin.f32 v25, v15;
	(xrf1) =	vsort.dscd.msk.f32 $0xffff, v10, v10;
	v25 =	vmax.f32 v17, v14  }
0x5c: {  	v13 =	vmin.f32 v18, v13;
	v18 =	vld [tilespmem:s30+$0xFFFFFFB0];
	v12 =	vmin.f32 v22, v12;
	v22 =	vand.u32 $0xFFFFFFC0, v29;
	(xrf1) =	vsort.dscd.msk.f32 $0xffff, v20, v20  }
0x5d: {  	v22 =	vor.u32 v1, v22;
	v10 =	vld [tilespmem:s30+$0x30];
	v23 =	vperm.xlane v23, v4;
	(xrf1) =	vsort.dscd.msk.f32 $0xffff, v25, v25  }
0x5e: {  	v16 =	vmin.f32 v26, v16;
	v29 =	vld [tilespmem:s30+$0x20];
	v25, _, _ =	vpop (xrf1);
	(xrf1) =	vsort.dscd.msk.f32 $0xffff, v22, v22;
	v22 =	vmin.f32 v15, v12  }
0x5f: {  	v26 =	vmax.f32 v13, v16;
	v20 =	vld [tilespmem:s30+$0x0];
	v30 =	vmax.f32 v25, v23;
	(xrf1) =	vsort.dscd.msk.f32 $0xffff, v22, v22  }
0x60: {  	v13 =	vmin.f32 v13, v16;
	v11 =	vmin.f32 v21, v11;
	v16 =	vld [tilespmem:s30+$0xFFFFFFA0];
	v21, _, _ =	vpop (xrf1);
	(xrf1) =	vsort.dscd.msk.f32 $0xffff, v30, v30  }
0x61: {  	v12 =	vmax.f32 v15, v12;
	v15, _, _ =	vpop (xrf1);
	(xrf1) =	vsort.dscd.msk.f32 $0xffff, v26, v26  }
0x62: {  	v18 =	vand.u32 $0xFFFFFFC0, v18;
	v10 =	vand.u32 $0xFFFFFFC0, v10;
	(xrf1) =	vsort.dscd.msk.f32 $0xffff, v11, v11  }
0x63: {  	v22 =	vld [tilespmem:s30+$0x10];
	v10 =	vor.u32 v3, v10;
	v26, _, _ =	vpop (xrf1);
	(xrf1) =	vsort.dscd.msk.f32 $0xffff, v13, v13;
	v13 =	vperm.xlane v27, v4;
	v27 =	vand.u32 $0xFFFFFFC0, v29  }
0x64: {  	v19 =	vperm.xlane v19, v4;
	v18 =	vor.u32 v3, v18;
	v11 =	vand.u32 $0xFFFFFFC0, v20;
	v20, _, _ =	vpop (xrf1);
	(xrf1) =	vsort.dscd.msk.f32 $0xffff, v10, v10  }
0x65: {  	v9 =	vmax.f32 v28, v9;
	v28, _, _ =	vpop (xrf1);
	v10 =	vand.u32 $0xFFFFFFC0, v16;
	v16 =	vor.u32 v2, v27;
	(xrf1) =	vsort.dscd.msk.f32 $0xffff, v18, v18  }
0x66: {  	v24 =	vperm.xlane v24, v4;
	v23 =	vmin.f32 v25, v23;
	v27, _, _ =	vpop (xrf1);
	(xrf1) =	vsort.dscd.msk.f32 $0xffff, v16, v16  }
0x67: {  	v15 =	vperm.xlane v15, v4;
	v18 =	vld [tilespmem:s30+$0xFFFFFF80];
	v10 =	vor.u32 v2, v10;
	v29, _, _ =	vpop (xrf1);
	(xrf1) =	vsort.dscd.msk.f32 $0xffff, v12, v12  }
0x68: {  	v30 =	vmax.f32 v26, v19;
	v22 =	vand.u32 $0xFFFFFFC0, v22;
	v31, _, _ =	vpop (xrf1);
	(xrf1) =	vsort.dscd.msk.f32 $0xffff, v10, v10;
	v10 =	vmin.f32 v17, v14  }
0x69: {  	v11 =	vor.u32 v0, v11;
	v22 =	vor.u32 v1, v22;
	v16 =	vmax.f32 v20, v15;
	v32, _, _ =	vpop (xrf1)  }
0x6a: {  	v5 =	vxor.u32 $0x80000000, v5;
	v25 =	vmin.f32 v27, v13;
	v12 =	vmin.f32 v20, v15;
	(xrf1) =	vsort.dscd.msk.f32 $0xffff, v10, v10;
	v14, _, _ =	vpop (xrf1)  }
0x6b: {  	v6 =	vxor.u32 $0x80000000, v6;
	v15 =	vperm.xlane v21, v4;
	v13 =	vmax.f32 v27, v13;
	(xrf1) =	vsort.dscd.msk.f32 $0xffff, v22, v22;
	v10, _, _ =	vpop (xrf1)  }
0x6c: {  	v17 =	vmin.f32 v26, v19;
	v18 =	vand.u32 $0xFFFFFFC0, v18;
	v20 =	vperm.xlane v32, v4;
	(xrf1) =	vsort.dscd.msk.f32 $0xffff, v12, v12;
	v19, _, _ =	vpop (xrf1)  }
0x6d: {  	v7 =	vxor.u32 $0x80000000, v7;
	v18 =	vor.u32 v0, v18;
	v12 =	vmax.f32 v10, v24;
	(xrf1) =	vsort.dscd.msk.f32 $0xffff, v11, v11;
	v21, _, _ =	vpop (xrf1)  }
0x6e: {  	v8 =	vxor.u32 $0x80000000, v8;
	v11 =	vmax.f32 v14, v20;
	v14 =	vmin.f32 v14, v20;
	v22, _, _ =	vpop (xrf1);
	(xrf1) =	vsort.dscd.msk.f32 $0xffff, v9, v9  }
0x6f: {  	s16 =	simm.s32 $0x0;
	v10 =	vmin.f32 v10, v24;
	v24 =	vand.u32 $0x3F, v28;
	v27 =	vmax.f32 v11, v12;
	v26, _, _ =	vpop (xrf1)  }
0x70: {  	s17 =	simm.s32 $0x480;
	v58 =	vmax.f32 v14, v10;
	v12 =	vmin.f32 v11, v12;
	v9 =	vor.u32 s16, v24;
	(xrf1) =	vsort.dscd.msk.f32 $0xffff, v27, v27;
	v28, _, _ =	vpop (xrf1)  }
0x71: {  	v33 =	vld [tilespmem:s17+$0xFFFFFF90];
	v24 =	vmax.f32 v29, v15;
	v27 =	vand.u32 $0x3F, v31;
	v31 =	vmin.f32 v14, v10;
	(xrf1) =	vsort.dscd.msk.f32 $0xffff, v18, v18;
	v14, _, _ =	vpop (xrf1)  }
0x72: {  	v20 =	vld [tilespmem:s17+$0xFFFFFF80];
	v19 =	vperm.xlane v19, v4;
	(xrf1) =	vsort.dscd.msk.f32 $0xffff, v16, v16;
	v11 =	vand.u32 $0x3F, v14;
	v14 =	vmin.f32 v24, v30;
	v16, _, _ =	vpop (xrf1)  }
0x73: {  	s31 =	simm.s32 $0x80;
	v10 =	vmax.f32 v24, v30;
	v24 =	vld [tilespmem:s17+$0x30];
	v30 =	vor.u32 s16, v11;
	v11 =	vand.u32 $0x3F, v28;
	v28, _, _ =	vpop (xrf1);
	(xrf1) =	vsort.dscd.msk.f32 $0xffff, v14, v14  }
0x74: {  	v15 =	vmin.f32 v29, v15;
	v37 =	vor.u32 s31, v27;
	v14 =	vld [tilespmem:s17+$0xFFFFFFA0];
	v28 =	vperm.xlane v28, v4;
	v34, _, _ =	vpop (xrf1);
	(xrf1) =	vsort.dscd.msk.f32 $0xffff, v23, v23  }
0x75: {  	v16 =	vand.u32 $0x3F, v16;
	[tilespmem:v9+s13+$0x0] =	vst.idx.add.f32.msk $0xffff, v5;
	v29 =	vor.u32 s16, v11;
	v36, _, _ =	vpop (xrf1);
	(xrf1) =	vsort.dscd.msk.f32 $0xffff, v13, v13  }
0x76: {  	v35 =	vld [tilespmem:s17+$0x20];
	v11 =	vperm.xlane v26, v4;
	v26 =	vand.u32 $0xFFFFFFC0, v33;
	v27 =	vmax.f32 v36, v28;
	(xrf1) =	vsort.dscd.msk.f32 $0xffff, v25, v25;
	v59, _, _ =	vpop (xrf1)  }
0x77: {  	v18 =	vld [tilespmem:s17+$0x0];
	v13 =	vand.u32 $0xFFFFFFC0, v20;
	v20 =	vor.u32 v1, v26;
	(xrf1) =	vsort.dscd.msk.f32 $0xffff, v27, v27;
	v27 =	vperm.xlane v34, v4;
	v60, _, _ =	vpop (xrf1)  }
0x78: {  	v23 =	vmax.f32 v15, v17;
	v15 =	vmin.f32 v15, v17;
	v16 =	vor.u32 s16, v16;
	v25 =	vld [tilespmem:s17+$0xFFFFFFB0];
	(xrf1) =	vsort.dscd.msk.f32 $0xffff, v20, v20;
	v39, _, _ =	vpop (xrf1)  }
0x79: {  	v38 =	vperm.xlane v21, v4;
	v26 =	vld [tilespmem:s17+$0x10];
	v24 =	vand.u32 $0xFFFFFFC0, v24;
	v20 =	vmax.f32 v60, v27;
	v21, _, _ =	vpop (xrf1);
	(xrf1) =	vsort.dscd.msk.f32 $0xffff, v15, v15  }
0x7a: {  	v14 =	vand.u32 $0xFFFFFFC0, v14;
	v17 =	vor.u32 v3, v24;
	[tilespmem:v30+s13+$0x0] =	vst.idx.add.f32.msk $0xffff, v6;
	(xrf1) =	vsort.dscd.msk.f32 $0xffff, v20, v20;
	v61, _, _ =	vpop (xrf1)  }
0x7b: {  	v40 =	vor.u32 v2, v14;
	v14 =	vand.u32 $0xFFFFFFC0, v35;
	[tilespmem:v29+s13+$0x0] =	vst.idx.add.f32.msk $0xffff, v7;
	v42, _, _ =	vpop (xrf1);
	(xrf1) =	vsort.dscd.msk.f32 $0xffff, v58, v58  }
0x7c: {  	v18 =	vand.u32 $0xFFFFFFC0, v18;
	v24 =	vperm.xlane v21, v4;
	v41 =	vor.u32 v2, v14;
	(xrf1) =	vsort.dscd.msk.f32 $0xffff, v12, v12;
	v21, _, _ =	vpop (xrf1)  }
0x7d: {  	v20 =	vor.u32 v0, v18;
	[tilespmem:v16+s13+$0x0] =	vst.idx.add.f32.msk $0xffff, v8;
	v14 =	vand.u32 $0xFFFFFFC0, v25;
	v21 =	vand.u32 $0x3F, v21  }
0x7e: {  	v62 =	vand.u32 $0x3F, v59;
	v16 =	vmin.f32 v61, v19;
	v12 =	vor.u32 v3, v14;
	v9, _, _ =	vpop (xrf1);
	(xrf1) =	vsort.dscd.msk.f32 $0xffff, v31, v31  }
0x7f: {  	v15 =	vmax.f32 v42, v24;
	v14 =	vmax.f32 v61, v19;
	(xrf1) =	vsort.dscd.msk.f32 $0xffff, v17, v17;
	v25, _, _ =	vpop (xrf1);
	v30 =	vor.u32 s31, v21  }
0x80: {  	v18 =	vand.u32 $0xFFFFFFC0, v26;
	v29 =	vmin.f32 v42, v24;
	v24 =	vperm.xlane v39, v4;
	(xrf1) =	vsort.dscd.msk.f32 $0xffff, v12, v12;
	v21, _, _ =	vpop (xrf1)  }
0x81: {  	v17 =	vmin.f32 v60, v27;
	v27 =	vand.u32 $0x3F, v22;
	v22 =	vor.u32 s31, v62;
	(xrf1) =	vsort.dscd.msk.f32 $0xffff, v41, v41;
	v12, _, _ =	vpop (xrf1)  }
0x82: {  	v31 =	vor.u32 v1, v18;
	v63, _, _ =	vpop (xrf1);
	(xrf1) =	vsort.dscd.msk.f32 $0xffff, v23, v23;
	v23 =	vmin.f32 v36, v28  }
0x83: {  	s18 =	simm.s32 $0x100;
	v9 =	vand.u32 $0x3F, v9;
	v18 =	vmin.f32 v25, v38;
	v19 =	vor.u32 s31, v27;
	(xrf1) =	vsort.dscd.msk.f32 $0xffff, v40, v40;
	v26, _, _ =	vpop (xrf1)  }
0x84: {  	s19 =	simm.s32 $0xA;
	s20 =	simm.s32 $0x580;
	v9 =	vor.u32 s18, v9;
	v25 =	vmax.f32 v25, v38;
	[tilespmem:v30+s13+$0x0] =	vst.idx.add.f32.msk $0xffff, v5;
	(xrf1) =	vsort.dscd.msk.f32 $0xffff, v23, v23;
	v27, _, _ =	vpop (xrf1)  }
0x85: {  	s15 =	simm.s32 $0x8;
	s16 =	simm.s32 $0x6;
	s17 =	simm.s32 $0x4;
	v12 =	vand.u32 $0x3F, v12;
	v28 =	vperm.xlane v63, v4;
	[tilespmem:v37+s13+$0x0] =	vst.idx.add.f32.msk $0xffff, v6;
	(xrf1) =	vsort.dscd.msk.f32 $0xffff, v31, v31;
	v23, _, _ =	vpop (xrf1)  }
.LBB2_2:
0x86: {  	p0 =	slt.u32 s19, $0xFE;
	v30, _, _ =	vpop (xrf1);
	(xrf1) =	vsort.dscd.msk.f32 $0xffff, v29, v29;
	v29 =	vmax.f32 v27, v11;
	[tilespmem:v22+s13+$0x0] =	vst.idx.add.f32.msk $0xffff, v7;
	s21 =	smov.u32 s19;
	s19 =	sadd.s32 $0x2, s19  }
0x87: {  	v13 =	vor.u32 v0, v13;
	v22 =	vld [tilespmem:s20+$0x30];
	(xrf1) =	vsort.dscd.msk.f32 $0xffff, v20, v20;
	v20 =	vmax.f32 v26, v28;
	v31, _, _ =	vpop (xrf1)  }
0x88: {  	v36 =	vmin.f32 v27, v11;
	v32, _, _ =	vpop (xrf1);
	v27 =	vmax.f32 v20, v29;
	[tilespmem:v19+s13+$0x0] =	vst.idx.add.f32.msk $0xffff, v8  }
0x89: {  	v26 =	vmin.f32 v26, v28;
	v28 =	vmax.f32 v21, v24;
	v19 =	vld [tilespmem:s20+$0xFFFFFF80];
	v33, _, _ =	vpop (xrf1);
	(xrf1) =	vsort.dscd.msk.f32 $0xffff, v10, v10  }
0x8a: {  	v35 =	vmax.f32 v26, v36;
	v26 =	vmin.f32 v26, v36;
	v34 =	vld [tilespmem:s20+$0x0];
	(xrf1) =	vsort.dscd.msk.f32 $0xffff, v27, v27;
	v11, _, _ =	vpop (xrf1)  }
0x8b: {  	v29 =	vmin.f32 v20, v29;
	v10 =	vmax.f32 v28, v14;
	v27 =	vld [tilespmem:s20+$0xFFFFFF90];
	(xrf1) =	vsort.dscd.msk.f32 $0xffff, v13, v13;
	v11 =	vand.u32 $0x3F, v11  }
0x8c: {  	v13 =	vmin.f32 v28, v14;
	v20 =	vld [tilespmem:s20+$0xFFFFFFA0];
	(xrf1) =	vsort.dscd.msk.f32 $0xffff, v15, v15;
	v28 =	vor.u32 s18, v11;
	v11 =	vand.u32 $0x3F, v33;
	v14, _, _ =	vpop (xrf1)  }
0x8d: {  	v21 =	vmin.f32 v21, v24;
	v15 =	vld [tilespmem:s20+$0xFFFFFFB0];
	v33, _, _ =	vpop (xrf1);
	(xrf1) =	vsort.dscd.msk.f32 $0xffff, v13, v13;
	v24 =	vor.u32 s18, v11;
	v14 =	vand.u32 $0x3F, v14  }
0x8e: {  	s22 =	sadd.s32 $0x80, s18;
	v38 =	vmax.f32 v21, v16;
	v36 =	vld [tilespmem:s20+$0x10];
	v33 =	vperm.xlane v33, v4;
	v37, _, _ =	vpop (xrf1);
	(xrf1) =	vsort.dscd.msk.f32 $0xffff, v17, v17  }
0x8f: {  	v23 =	vperm.xlane v23, v4;
	v11 =	vperm.xlane v32, v4;
	v32 =	vor.u32 s22, v12;
	v17 =	vld [tilespmem:s20+$0x20];
	v39, _, _ =	vpop (xrf1);
	(xrf1) =	vsort.dscd.msk.f32 $0xffff, v25, v25  }
0x90: {  	v25 =	vand.u32 $0xFFFFFFC0, v34;
	v41 =	vand.u32 $0xFFFFFFC0, v27;
	v27 =	vmax.f32 v39, v33;
	(xrf1) =	vsort.dscd.msk.f32 $0xffff, v18, v18;
	v18, _, _ =	vpop (xrf1)  }
0x91: {  	v13 =	vand.u32 $0xFFFFFFC0, v19;
	v19 =	vperm.xlane v37, v4;
	v40 =	vor.u32 v1, v41;
	v34, _, _ =	vpop (xrf1);
	(xrf1) =	vsort.dscd.msk.f32 $0xffff, v27, v27  }
0x92: {  	v16 =	vmin.f32 v21, v16;
	v22 =	vand.u32 $0xFFFFFFC0, v22;
	v27 =	vperm.xlane v30, v4;
	(xrf1) =	vsort.dscd.msk.f32 $0xffff, v40, v40;
	v12, _, _ =	vpop (xrf1)  }
0x93: {  	v21 =	vor.u32 v3, v22;
	v20 =	vand.u32 $0xFFFFFFC0, v20;
	v22 =	vmax.f32 v34, v19;
	v30, _, _ =	vpop (xrf1);
	(xrf1) =	vsort.dscd.msk.f32 $0xffff, v16, v16  }
0x94: {  	v16 =	vor.u32 v2, v20;
	v17 =	vand.u32 $0xFFFFFFC0, v17;
	v30 =	vperm.xlane v30, v4;
	(xrf1) =	vsort.dscd.msk.f32 $0xffff, v22, v22;
	v37, _, _ =	vpop (xrf1)  }
0x95: {  	v41 =	vand.u32 $0x3F, v18;
	v22 =	vor.u32 v2, v17;
	v40, _, _ =	vpop (xrf1);
	(xrf1) =	vsort.dscd.msk.f32 $0xffff, v35, v35;
	v35 =	vor.u32 s18, v14  }
0x96: {  	v20 =	vor.u32 v0, v25;
	v14 =	vand.u32 $0xFFFFFFC0, v15;
	v15 =	vmax.f32 v40, v30;
	(xrf1) =	vsort.dscd.msk.f32 $0xffff, v29, v29  }
0x97: {  	v17 =	vand.u32 $0xFFFFFFC0, v36;
	v18 =	vor.u32 v3, v14;
	v14 =	vmax.f32 v37, v23;
	[tilespmem:v9+s13+$0x0] =	vst.idx.add.f32.msk $0xffff, v5;
	v9, _, _ =	vpop (xrf1)  }
0x98: {  	v36 =	vor.u32 v1, v17;
	v25, _, _ =	vpop (xrf1);
	(xrf1) =	vsort.dscd.msk.f32 $0xffff, v26, v26;
	[tilespmem:v28+s13+$0x0] =	vst.idx.add.f32.msk $0xffff, v6;
	v9 =	vand.u32 $0x3F, v9  }
0x99: {  	s18 =	sshll.u32 s17, $0x7;
	s17 =	smov.u32 s16;
	s16 =	smov.u32 s15;
	v17 =	vmin.f32 v34, v19;
	(xrf1) =	vsort.dscd.msk.f32 $0xffff, v21, v21;
	v28, _, _ =	vpop (xrf1);
	v19 =	vand.u32 $0x3F, v25;
	v34 =	vor.u32 s22, v9  }
0x9a: {  	s15 =	smov.u32 s21;
	(xrf1) =	vsort.dscd.msk.f32 $0xffff, v18, v18;
	v21, _, _ =	vpop (xrf1);
	v9 =	vor.u32 s18, v19;
	[tilespmem:v24+s13+$0x0] =	vst.idx.add.f32.msk $0xffff, v7;
	v19 =	vand.u32 $0x3F, v31  }
.Ltmp0:
0x9b: {  	v18 =	vmin.f32 v28, v27;
	(xrf1) =	vsort.dscd.msk.f32 $0xffff, v22, v22;
	v25, _, _ =	vpop (xrf1);
	[tilespmem:v35+s13+$0x0] =	vst.idx.add.f32.msk $0xffff, v8;
	v22 =	vor.u32 s22, v41;
	(pc) =	sbr.rel @p0 .LBB2_2-.Ltmp0, $4  }
0x9c: {  	v29 =	vmin.f32 v40, v30;
	v24 =	vperm.xlane v12, v4;
	v19 =	vor.u32 s22, v19;
	v30, _, _ =	vpop (xrf1);
	(xrf1) =	vsort.dscd.msk.f32 $0xffff, v38, v38  }
0x9d: {  	v31 =	vmin.f32 v39, v33;
	v12 =	vand.u32 $0x3F, v25;
	(xrf1) =	vsort.dscd.msk.f32 $0xffff, v16, v16;
	v16 =	vmin.f32 v37, v23;
	v26, _, _ =	vpop (xrf1)  }
0x9e: {  	v25 =	vmax.f32 v28, v27;
	(xrf1) =	vsort.dscd.msk.f32 $0xffff, v31, v31;
	v27, _, _ =	vpop (xrf1);
	[tilespmem:v34+s13+$0x0] =	vst.idx.add.f32.msk $0xffff, v5  }
0x9f: {  	s20 =	sadd.s32 $0x100, s20;
	v28 =	vperm.xlane v30, v4;
	(xrf1) =	vsort.dscd.msk.f32 $0xffff, v36, v36;
	v23, _, _ =	vpop (xrf1);
	[tilespmem:v32+s13+$0x0] =	vst.idx.add.f32.msk $0xffff, v6  }
0xa0: {  	(xrf1) =	vsort.dscd.msk.f32 $0xffff, v29, v29  }
0xa1: {  	v29, _, _ =	vpop (xrf1);
	v30 =	vmax.f32 v27, v11;
	(xrf1) =	vsort.dscd.msk.f32 $0xffff, v20, v20;
	v31 =	vmax.f32 v26, v28  }
0xa2: {  	v20, _, _ =	vpop (xrf1);
	v32 =	vmax.f32 v31, v30;
	(xrf1) =	vsort.dscd.msk.f32 $0xffff, v10, v10  }
0xa3: {  	v10 =	vor.u32 v0, v13;
	v13, _, _ =	vpop (xrf1);
	(xrf1) =	vsort.dscd.msk.f32 $0xffff, v32, v32  }
0xa4: {  	v63 =	vmax.f32 v21, v24;
	(xrf1) =	vsort.dscd.msk.f32 $0xffff, v10, v10  }
0xa5: {  	v33, _, _ =	vpop (xrf1);
	(xrf1) =	vsort.dscd.msk.f32 $0xffff, v15, v15;
	v15 =	vmin.f32 v63, v14  }
0xa6: {  	v10, _, _ =	vpop (xrf1)  }
0xa7: {  	v34, _, _ =	vpop (xrf1)  }
0xa8: {  	(xrf1) =	vsort.dscd.msk.f32 $0xffff, v15, v15;
	v15, _, _ =	vpop (xrf1)  }
0xa9: {  	(xrf1) =	vsort.dscd.msk.f32 $0xffff, v17, v17;
	v17, _, _ =	vpop (xrf1)  }
0xaa: {  	(xrf1) =	vsort.dscd.msk.f32 $0xffff, v25, v25;
	v25, _, _ =	vpop (xrf1)  }
0xab: {  	(xrf1) =	vsort.dscd.msk.f32 $0xffff, v18, v18;
	v18, _, _ =	vpop (xrf1)  }
0xac: {  	v35, _, _ =	vpop (xrf1)  }
0xad: {  	v15 =	vperm.xlane v15, v4;
	v36, _, _ =	vpop (xrf1)  }
0xae: {  	v37, _, _ =	vpop (xrf1)  }
0xaf: {  	v21 =	vmin.f32 v21, v24;
	v24 =	vmax.f32 v25, v15;
	v38, _, _ =	vpop (xrf1)  }
0xb0: {  	v39, _, _ =	vpop (xrf1);
	(xrf1) =	vsort.dscd.msk.f32 $0xffff, v24, v24;
	v24 =	vmin.f32 v21, v16  }
0xb1: {  	v26 =	vmin.f32 v26, v28;
	v17 =	vperm.xlane v17, v4  }
0xb2: {  	v11 =	vmin.f32 v27, v11;
	v27, _, _ =	vpop (xrf1)  }
0xb3: {  	v28 =	vmax.f32 v35, v17;
	(xrf1) =	vsort.dscd.msk.f32 $0xffff, v24, v24;
	v24, _, _ =	vpop (xrf1)  }
0xb4: {  	v40 =	vmax.f32 v26, v11;
	v11 =	vmin.f32 v26, v11;
	(xrf1) =	vsort.dscd.msk.f32 $0xffff, v28, v28;
	v26, _, _ =	vpop (xrf1)  }
0xb5: {  	v16 =	vmax.f32 v21, v16;
	v28 =	vmin.f32 v31, v30;
	(xrf1) =	vsort.dscd.msk.f32 $0xffff, v40, v40;
	v30, _, _ =	vpop (xrf1)  }
0xb6: {  	v23 =	vperm.xlane v23, v4;
	v15 =	vmin.f32 v25, v15;
	(xrf1) =	vsort.dscd.msk.f32 $0xffff, v28, v28;
	v21, _, _ =	vpop (xrf1)  }
0xb7: {  	v13 =	vperm.xlane v13, v4;
	v28 =	vperm.xlane v37, v4;
	(xrf1) =	vsort.dscd.msk.f32 $0xffff, v11, v11;
	v11, _, _ =	vpop (xrf1)  }
0xb8: {  	v14 =	vmax.f32 v63, v14;
	(xrf1) =	vsort.dscd.msk.f32 $0xffff, v16, v16;
	v16, _, _ =	vpop (xrf1);
	v11 =	vperm.xlane v11, v4  }
0xb9: {  	v31 =	vperm.xlane v36, v4;
	v25 =	vmin.f32 v39, v28;
	(xrf1) =	vsort.dscd.msk.f32 $0xffff, v15, v15;
	v15, _, _ =	vpop (xrf1)  }
0xba: {  	(xrf1) =	vsort.dscd.msk.f32 $0xffff, v25, v25;
	v25 =	vmax.f32 v15, v13;
	v43 =	vmax.f32 v16, v11  }
0xbb: {  	v45 =	vmax.f32 v30, v31;
	(xrf1) =	vsort.dscd.msk.f32 $0xffff, v14, v14;
	v44 =	vmax.f32 v43, v25  }
0xbc: {  	v28 =	vmax.f32 v39, v28;
	v14 =	vmax.f32 v38, v23;
	(xrf1) =	vsort.dscd.msk.f32 $0xffff, v44, v44  }
0xbd: {  	v29 =	vperm.xlane v29, v4;
	(xrf1) =	vsort.dscd.msk.f32 $0xffff, v28, v28;
	v28 =	vmin.f32 v45, v14  }
0xbe: {  	v17 =	vmin.f32 v35, v17;
	(xrf1) =	vsort.dscd.msk.f32 $0xffff, v28, v28  }
0xbf: {  	v28 =	vmax.f32 v26, v29;
	(xrf1) =	vsort.dscd.msk.f32 $0xffff, v17, v17  }
0xc0: {  	v17 =	vmin.f32 v26, v29;
	v26, _, _ =	vpop (xrf1);
	(xrf1) =	vsort.dscd.msk.f32 $0xffff, v28, v28;
	v28 =	vand.u32 $0x3F, v33  }
0xc1: {  	v10 =	vand.u32 $0x3F, v10;
	v29, _, _ =	vpop (xrf1);
	(xrf1) =	vsort.dscd.msk.f32 $0xffff, v17, v17;
	v17 =	vor.u32 s18, v28;
	v28 =	vand.u32 $0x3F, v34  }
0xc2: {  	[tilespmem:v22+s13+$0x0] =	vst.idx.add.f32.msk $0xffff, v7;
	v10 =	vor.u32 s18, v10  }
0xc3: {  	[tilespmem:v19+s13+$0x0] =	vst.idx.add.f32.msk $0xffff, v8;
	v19 =	vand.u32 $0x3F, v27;
	v46, _, _ =	vpop (xrf1)  }
0xc4: {  	s19 =	sadd.s32 $0x80, s18;
	v22 =	vor.u32 s18, v28;
	v28, _, _ =	vpop (xrf1)  }
0xc5: {  	[tilespmem:v9+s13+$0x0] =	vst.idx.add.f32.msk $0xffff, v5;
	v9 =	vor.u32 s19, v19;
	v27, _, _ =	vpop (xrf1)  }
0xc6: {  	v19, _, _ =	vpop (xrf1)  }
0xc7: {  	[tilespmem:v10+s13+$0x0] =	vst.idx.add.f32.msk $0xffff, v6;
	v10, _, _ =	vpop (xrf1)  }
0xc8: {  	v13 =	vmin.f32 v15, v13;
	[tilespmem:v17+s13+$0x0] =	vst.idx.add.f32.msk $0xffff, v7;
	v17, _, _ =	vpop (xrf1)  }
0xc9: {  	v11 =	vmin.f32 v16, v11;
	[tilespmem:v22+s13+$0x0] =	vst.idx.add.f32.msk $0xffff, v8;
	v22 =	vmin.f32 v38, v23;
	v23, _, _ =	vpop (xrf1)  }
0xca: {  	[tilespmem:v9+s13+$0x0] =	vst.idx.add.f32.msk $0xffff, v5;
	v15 =	vmin.f32 v30, v31;
	v9 =	vmax.f32 v11, v13;
	v16, _, _ =	vpop (xrf1)  }
0xcb: {  	v11 =	vmin.f32 v11, v13;
	v13 =	vmin.f32 v43, v25;
	v30 =	vmin.f32 v15, v22;
	v31, _, _ =	vpop (xrf1)  }
0xcc: {  	v14 =	vmax.f32 v45, v14;
	(xrf1) =	vsort.dscd.msk.f32 $0xffff, v30, v30;
	v25, _, _ =	vpop (xrf1)  }
0xcd: {  	v12 =	vor.u32 s19, v12;
	v26 =	vperm.xlane v26, v4;
	v15 =	vmax.f32 v15, v22;
	(xrf1) =	vsort.dscd.msk.f32 $0xffff, v9, v9;
	v9, _, _ =	vpop (xrf1)  }
0xce: {  	v22 =	vperm.xlane v46, v4;
	v17 =	vperm.xlane v17, v4;
	(xrf1) =	vsort.dscd.msk.f32 $0xffff, v13, v13;
	v13, _, _ =	vpop (xrf1)  }
0xcf: {  	v18 =	vand.u32 $0x3F, v18;
	v30 =	vmax.f32 v23, v26;
	(xrf1) =	vsort.dscd.msk.f32 $0xffff, v11, v11;
	v11, _, _ =	vpop (xrf1);
	v13 =	vperm.xlane v13, v4  }
0xd0: {  	v18 =	vor.u32 s19, v18;
	(xrf1) =	vsort.dscd.msk.f32 $0xffff, v15, v15;
	v15 =	vmin.f32 v23, v26;
	v48 =	vmax.f32 v25, v17;
	v23, _, _ =	vpop (xrf1)  }
0xd1: {  	v16 =	vand.u32 $0x3F, v16;
	(xrf1) =	vsort.dscd.msk.f32 $0xffff, v14, v14;
	v26 =	vmax.f32 v23, v22;
	v47 =	vmax.f32 v11, v13  }
0xd2: {  	s17 =	sshll.u32 s17, $0x7;
	[tilespmem:v12+s13+$0x0] =	vst.idx.add.f32.msk $0xffff, v6;
	v22 =	vmin.f32 v23, v22;
	v23 =	vand.u32 $0x3F, v24;
	v24 =	vmax.f32 v47, v26  }
0xd3: {  	s20 =	sadd.s32 $0x80, s17;
	v17 =	vmin.f32 v25, v17;
	v14 =	vor.u32 s17, v23;
	v23 =	vmin.f32 v48, v30;
	(xrf1) =	vsort.dscd.msk.f32 $0xffff, v24, v24  }
0xd4: {  	v16 =	vor.u32 s20, v16;
	v11 =	vmin.f32 v11, v13;
	v13 =	vmin.f32 v17, v15;
	(xrf1) =	vsort.dscd.msk.f32 $0xffff, v23, v23  }
0xd5: {  	[tilespmem:v18+s13+$0x0] =	vst.idx.add.f32.msk $0xffff, v7;
	v12 =	vmax.f32 v11, v22;
	(xrf1) =	vsort.dscd.msk.f32 $0xffff, v13, v13;
	v13 =	vand.u32 $0x3F, v27  }
0xd6: {  	v18 =	vmin.f32 v47, v26;
	(xrf1) =	vsort.dscd.msk.f32 $0xffff, v12, v12;
	v12 =	vor.u32 s17, v13;
	v13 =	vand.u32 $0x3F, v28  }
0xd7: {  	v11 =	vmin.f32 v11, v22;
	(xrf1) =	vsort.dscd.msk.f32 $0xffff, v18, v18;
	v13 =	vor.u32 s17, v13;
	v18 =	vand.u32 $0x3F, v19  }
0xd8: {  	v15 =	vmax.f32 v17, v15;
	v17 =	vmax.f32 v48, v30;
	(xrf1) =	vsort.dscd.msk.f32 $0xffff, v11, v11;
	v11 =	vor.u32 s17, v18  }
0xd9: {  	[tilespmem:v16+s13+$0x0] =	vst.idx.add.f32.msk $0xffff, v5;
	(xrf1) =	vsort.dscd.msk.f32 $0xffff, v15, v15;
	v15 =	vand.u32 $0x3F, v21  }
0xda: {  	[tilespmem:v14+s13+$0x0] =	vst.idx.add.f32.msk $0xffff, v5;
	v14, _, _ =	vpop (xrf1);
	v15 =	vor.u32 s20, v15  }
0xdb: {  	v20 =	vand.u32 $0x3F, v20;
	(xrf1) =	vsort.dscd.msk.f32 $0xffff, v17, v17;
	v17, _, _ =	vpop (xrf1);
	[tilespmem:v12+s13+$0x0] =	vst.idx.add.f32.msk $0xffff, v6  }
0xdc: {  	v20 =	vor.u32 s19, v20;
	v10 =	vand.u32 $0x3F, v10;
	v16 =	vand.u32 $0x3F, v17;
	[tilespmem:v13+s13+$0x0] =	vst.idx.add.f32.msk $0xffff, v7;
	v13, _, _ =	vpop (xrf1)  }
0xdd: {  	v10 =	vor.u32 s20, v10;
	v12 =	vand.u32 $0x3F, v29;
	[tilespmem:v11+s13+$0x0] =	vst.idx.add.f32.msk $0xffff, v8;
	v11 =	vand.u32 $0x3F, v13;
	v13, _, _ =	vpop (xrf1)  }
0xde: {  	s16 =	sshll.u32 s16, $0x7;
	v18 =	vand.u32 $0x3F, v31;
	v12 =	vor.u32 s20, v12;
	v17, _, _ =	vpop (xrf1)  }
0xdf: {  	v18 =	vor.u32 s16, v18;
	v13 =	vand.u32 $0x3F, v13;
	[tilespmem:v15+s13+$0x0] =	vst.idx.add.f32.msk $0xffff, v6;
	v15 =	vor.u32 s16, v16;
	v16, _, _ =	vpop (xrf1)  }
0xe0: {  	v11 =	vor.u32 s16, v11;
	v16 =	vand.u32 $0x3F, v16  }
0xe1: {  	[tilespmem:v20+s13+$0x0] =	vst.idx.add.f32.msk $0xffff, v8  }
0xe2: {  	s21 =	sadd.s32 $0x80, s16;
	v17 =	vand.u32 $0x3F, v17;
	[tilespmem:v10+s13+$0x0] =	vst.idx.add.f32.msk $0xffff, v7;
	v10 =	vor.u32 s16, v13;
	v13, _, _ =	vpop (xrf1)  }
0xe3: {  	v9 =	vand.u32 $0x3F, v9;
	[tilespmem:v12+s13+$0x0] =	vst.idx.add.f32.msk $0xffff, v8;
	v12 =	vor.u32 s21, v16;
	v16, _, _ =	vpop (xrf1)  }
0xe4: {  	v9 =	vor.u32 s21, v9;
	[tilespmem:v18+s13+$0x0] =	vst.idx.add.f32.msk $0xffff, v5;
	v18, _, _ =	vpop (xrf1)  }
0xe5: {  	[tilespmem:v11+s13+$0x0] =	vst.idx.add.f32.msk $0xffff, v6;
	v11 =	vand.u32 $0x3F, v14;
	v14 =	vor.u32 s21, v17;
	v17, _, _ =	vpop (xrf1)  }
0xe6: {  	s15 =	sshll.u32 s15, $0x7;
	v13 =	vand.u32 $0x3F, v13;
	[tilespmem:v15+s13+$0x0] =	vst.idx.add.f32.msk $0xffff, v7;
	v11 =	vor.u32 s21, v11;
	v15, _, _ =	vpop (xrf1)  }
0xe7: {  	v13 =	vor.u32 s15, v13;
	[tilespmem:v10+s13+$0x0] =	vst.idx.add.f32.msk $0xffff, v8;
	v10 =	vand.u32 $0x3F, v15;
	v15, _, _ =	vpop (xrf1)  }
0xe8: {  	[tilespmem:v12+s13+$0x0] =	vst.idx.add.f32.msk $0xffff, v5;
	v12 =	vand.u32 $0x3F, v17;
	v10 =	vor.u32 s15, v10;
	v17, _, _ =	vpop (xrf1)  }
0xe9: {  	[tilespmem:v9+s13+$0x0] =	vst.idx.add.f32.msk $0xffff, v6;
	v9 =	vor.u32 s15, v12;
	v12 =	vand.u32 $0x3F, v15;
	v15, _, _ =	vpop (xrf1)  }
0xea: {  	s22 =	sadd.s32 $0x80, s15;
	[tilespmem:v14+s13+$0x0] =	vst.idx.add.f32.msk $0xffff, v7;
	v12 =	vor.u32 s15, v12;
	v14 =	vand.u32 $0x3F, v15  }
0xeb: {  	[tilespmem:v11+s13+$0x0] =	vst.idx.add.f32.msk $0xffff, v8;
	v15 =	vand.u32 $0x3F, v16;
	v11 =	vor.u32 s22, v14  }
0xec: {  	[tilespmem:v13+s13+$0x0] =	vst.idx.add.f32.msk $0xffff, v5;
	v14 =	vor.u32 s22, v15;
	v15 =	vand.u32 $0x3F, v17  }
0xed: {  	v13 =	vor.u32 s22, v15;
	[tilespmem:v10+s13+$0x0] =	vst.idx.add.f32.msk $0xffff, v6;
	v10 =	vand.u32 $0x3F, v18  }
0xee: {  	[tilespmem:v9+s13+$0x0] =	vst.idx.add.f32.msk $0xffff, v7;
	v9 =	vor.u32 s22, v10  }
0xef: {  	[tilespmem:v12+s13+$0x0] =	vst.idx.add.f32.msk $0xffff, v8  }
0xf0: {  	[tilespmem:v11+s13+$0x0] =	vst.idx.add.f32.msk $0xffff, v5  }
0xf1: {  	[tilespmem:v14+s13+$0x0] =	vst.idx.add.f32.msk $0xffff, v6  }
0xf2: {  	[tilespmem:v13+s13+$0x0] =	vst.idx.add.f32.msk $0xffff, v7  }
0xf3: {  	s23 =	simm.s32 $0x0;
	[tilespmem:v9+s13+$0x0] =	vst.idx.add.f32.msk $0xffff, v8  }
0xf4: {  	[hbm4b:s6+s23] =	stream.linear.scatter [tilespmem:s13], [sflag:$0x1], $0x8000, $0x38;
	[tilespmem:$0x10080] =	vst v63  }
0xf5: {  	_ =	swait.ge [sflag:s12], $0x8000  }
0xf6: {  	[sflag:s12] =	ssyncset.done $0x0  }
0xf7: {  	[sflag:s12] =	ssyncadd.s32 $0xFFFF8000  }
0xf8: {  	[tilespmem:s23], [sflag:$0x1] =	stream.linear.gather [hbm4b:s7+s23], $0x8000, $0x38;
	[tilespmem:$0x10080] =	vst v63  }
0xf9: {  	_ =	swait.ge [sflag:s12], $0x8000  }
0xfa: {  	[sflag:s12] =	ssyncset.done $0x0  }
0xfb: {  	[sflag:s12] =	ssyncadd.s32 $0xFFFF8000  }
0xfc: {  	[tilespmem:s13], [sflag:$0x1] =	stream.linear.gather [hbm4b:s8+s23], $0x8000, $0x38;
	[tilespmem:$0x10080] =	vst v63  }
0xfd: {  	_ =	swait.ge [sflag:s12], $0x8000  }
0xfe: {  	[sflag:s12] =	ssyncset.done $0x0  }
0xff: {  	s24 =	simm.s32 $0x80;
	[sflag:s12] =	ssyncadd.s32 $0xFFFF8000  }
0x100: {  	v9 =	vld [tilespmem:s24+$0xFFFFFF90]  }
0x101: {  	v10 =	vld [tilespmem:s24+$0x30]  }
0x102: {  	v11 =	vld [tilespmem:s24+$0xFFFFFFB0]  }
0x103: {  	v12 =	vld [tilespmem:s24+$0x20];
	_ =	sdelay $0x1  }
0x104: {  	v13 =	vld [tilespmem:s24+$0xFFFFFFA0];
	v9 =	vand.u32 $0xFFFFFFC0, v9  }
0x105: {  	v10 =	vand.u32 $0xFFFFFFC0, v10;
	v9 =	vor.u32 v1, v9  }
0x106: {  	(xrf1) =	vsort.dscd.msk.f32 $0xffff, v9, v9;
	v9 =	vor.u32 v3, v10;
	v10 =	vand.u32 $0xFFFFFFC0, v11  }
0x107: {  	v11 =	vand.u32 $0xFFFFFFC0, v12;
	v10 =	vor.u32 v3, v10;
	(xrf1) =	vsort.dscd.msk.f32 $0xffff, v9, v9  }
0x108: {  	v9 =	vor.u32 v2, v11;
	(xrf1) =	vsort.dscd.msk.f32 $0xffff, v10, v10  }
0x109: {  	v10 =	vand.u32 $0xFFFFFFC0, v13;
	(xrf1) =	vsort.dscd.msk.f32 $0xffff, v9, v9  }
0x10a: {  	v9 =	vor.u32 v2, v10  }
0x10b: {  	v10 =	vld [tilespmem:s24+$0x0];
	(xrf1) =	vsort.dscd.msk.f32 $0xffff, v9, v9  }
0x10c: {  	v9 =	vld [tilespmem:s24+$0x10];
	_ =	sdelay $0x4  }
0x10d: {  	v11 =	vld [tilespmem:s24+$0xFFFFFF80];
	v10 =	vand.u32 $0xFFFFFFC0, v10;
	v9 =	vand.u32 $0xFFFFFFC0, v9  }
0x10e: {  	s25 =	simm.s32 $0x180;
	v10 =	vor.u32 v0, v10;
	v9 =	vor.u32 v1, v9  }
0x10f: {  	(xrf1) =	vsort.dscd.msk.f32 $0xffff, v9, v9;
	v9 =	vld [tilespmem:s25+$0xFFFFFF90]  }
0x110: {  	v12, _, _ =	vpop (xrf1)  }
0x111: {  	v13 =	vld [tilespmem:s25+$0x30];
	(xrf1) =	vsort.dscd.msk.f32 $0xffff, v10, v10;
	v10, _, _ =	vpop (xrf1)  }
0x112: {  	v14 =	vld [tilespmem:s25+$0xFFFFFFB0];
	v11 =	vand.u32 $0xFFFFFFC0, v11;
	v10 =	vperm.xlane v10, v4;
	v15, _, _ =	vpop (xrf1)  }
0x113: {  	v16 =	vld [tilespmem:s25+$0x20];
	v11 =	vor.u32 v0, v11;
	v17, _, _ =	vpop (xrf1)  }
0x114: {  	v18 =	vld [tilespmem:s25+$0xFFFFFFA0];
	(xrf1) =	vsort.dscd.msk.f32 $0xffff, v11, v11;
	v9 =	vand.u32 $0xFFFFFFC0, v9;
	v15 =	vperm.xlane v15, v4;
	v11 =	vmax.f32 v17, v10  }
0x115: {  	v9 =	vor.u32 v1, v9;
	v19, _, _ =	vpop (xrf1);
	(xrf1) =	vsort.dscd.msk.f32 $0xffff, v11, v11  }
0x116: {  	v11 =	vand.u32 $0xFFFFFFC0, v13;
	(xrf1) =	vsort.dscd.msk.f32 $0xffff, v9, v9;
	v9 =	vmax.f32 v19, v15  }
0x117: {  	v11 =	vor.u32 v3, v11;
	(xrf1) =	vsort.dscd.msk.f32 $0xffff, v9, v9;
	v9 =	vand.u32 $0xFFFFFFC0, v14  }
0x118: {  	v9 =	vor.u32 v3, v9;
	(xrf1) =	vsort.dscd.msk.f32 $0xffff, v11, v11  }
0x119: {  	v13 =	vand.u32 $0xFFFFFFC0, v16;
	(xrf1) =	vsort.dscd.msk.f32 $0xffff, v9, v9;
	v9 =	vand.u32 $0xFFFFFFC0, v18  }
0x11a: {  	v13 =	vor.u32 v2, v13;
	v11 =	vld [tilespmem:s25+$0x10];
	v9 =	vor.u32 v2, v9  }
0x11b: {  	(xrf1) =	vsort.dscd.msk.f32 $0xffff, v13, v13;
	v13 =	vld [tilespmem:s25+$0x0];
	_ =	sdelay $0x1  }
0x11c: {  	(xrf1) =	vsort.dscd.msk.f32 $0xffff, v9, v9;
	v9, _, _ =	vpop (xrf1)  }
0x11d: {  	v14 =	vld [tilespmem:s25+$0xFFFFFF80];
	v9 =	vperm.xlane v9, v4  }
0x11e: {  	v10 =	vmin.f32 v17, v10;
	v16, _, _ =	vpop (xrf1)  }
0x11f: {  	(xrf1) =	vsort.dscd.msk.f32 $0xffff, v10, v10;
	v11 =	vand.u32 $0xFFFFFFC0, v11;
	v10 =	vand.u32 $0xFFFFFFC0, v13;
	v13 =	vmin.f32 v16, v9  }
0x120: {  	v11 =	vor.u32 v1, v11  }
0x121: {  	(xrf1) =	vsort.dscd.msk.f32 $0xffff, v11, v11  }
0x122: {  	v11 =	vand.u32 $0xFFFFFFC0, v14;
	v10 =	vor.u32 v0, v10;
	(xrf1) =	vsort.dscd.msk.f32 $0xffff, v13, v13;
	v13, _, _ =	vpop (xrf1)  }
0x123: {  	s26 =	simm.s32 $0x280;
	v11 =	vor.u32 v0, v11;
	(xrf1) =	vsort.dscd.msk.f32 $0xffff, v10, v10;
	v10 =	vperm.xlane v12, v4;
	v12, _, _ =	vpop (xrf1)  }
0x124: {  	(xrf1) =	vsort.dscd.msk.f32 $0xffff, v11, v11;
	v11 =	vmin.f32 v19, v15;
	v15 =	vld [tilespmem:s26+$0xFFFFFF90];
	v14, _, _ =	vpop (xrf1)  }
0x125: {  	v9 =	vmax.f32 v16, v9;
	v16, _, _ =	vpop (xrf1)  }
0x126: {  	(xrf1) =	vsort.dscd.msk.f32 $0xffff, v9, v9;
	v9 =	vmax.f32 v13, v10;
	v10 =	vmin.f32 v13, v10;
	v13, _, _ =	vpop (xrf1)  }
0x127: {  	(xrf1) =	vsort.dscd.msk.f32 $0xffff, v11, v11;
	v11 =	vld [tilespmem:s26+$0x30];
	v13 =	vperm.xlane v13, v4;
	v17, _, _ =	vpop (xrf1)  }
0x128: {  	(xrf1) =	vsort.dscd.msk.f32 $0xffff, v9, v9;
	v9 =	vld [tilespmem:s26+$0xFFFFFFB0];
	v18, _, _ =	vpop (xrf1)  }
0x129: {  	(xrf1) =	vsort.dscd.msk.f32 $0xffff, v10, v10;
	v10 =	vld [tilespmem:s26+$0x20];
	v15 =	vand.u32 $0xFFFFFFC0, v15;
	v17 =	vperm.xlane v17, v4;
	v19 =	vmax.f32 v18, v13  }
0x12a: {  	v15 =	vor.u32 v1, v15;
	v20, _, _ =	vpop (xrf1);
	(xrf1) =	vsort.dscd.msk.f32 $0xffff, v19, v19  }
0x12b: {  	(xrf1) =	vsort.dscd.msk.f32 $0xffff, v15, v15;
	v15 =	vmax.f32 v20, v17  }
0x12c: {  	v24 =	vld [tilespmem:s26+$0xFFFFFF80];
	v11 =	vand.u32 $0xFFFFFFC0, v11  }
0x12d: {  	v19 =	vld [tilespmem:s26+$0xFFFFFFA0];
	v11 =	vor.u32 v3, v11;
	v9 =	vand.u32 $0xFFFFFFC0, v9;
	(xrf1) =	vsort.dscd.msk.f32 $0xffff, v15, v15  }
0x12e: {  	v10 =	vand.u32 $0xFFFFFFC0, v10;
	v9 =	vor.u32 v3, v9;
	v15, _, _ =	vpop (xrf1);
	(xrf1) =	vsort.dscd.msk.f32 $0xffff, v11, v11  }
0x12f: {  	v10 =	vor.u32 v2, v10;
	v21, _, _ =	vpop (xrf1);
	(xrf1) =	vsort.dscd.msk.f32 $0xffff, v9, v9  }
0x130: {  	v11 =	vld [tilespmem:s26+$0x10];
	v22, _, _ =	vpop (xrf1);
	(xrf1) =	vsort.dscd.msk.f32 $0xffff, v10, v10  }
0x131: {  	v9 =	vld [tilespmem:s26+$0x0]  }
0x132: {  	v24 =	vand.u32 $0xFFFFFFC0, v24;
	v10 =	vand.u32 $0xFFFFFFC0, v19;
	v19, _, _ =	vpop (xrf1)  }
0x133: {  	v24 =	vor.u32 v0, v24;
	v12 =	vperm.xlane v12, v4;
	v10 =	vor.u32 v2, v10;
	v23, _, _ =	vpop (xrf1)  }
0x134: {  	v16 =	vperm.xlane v16, v4;
	v13 =	vmin.f32 v18, v13;
	(xrf1) =	vsort.dscd.msk.f32 $0xffff, v10, v10;
	v25, _, _ =	vpop (xrf1)  }
0x135: {  	v15 =	vperm.xlane v15, v4;
	v10 =	vperm.xlane v21, v4;
	v11 =	vand.u32 $0xFFFFFFC0, v11;
	v21, _, _ =	vpop (xrf1)  }
0x136: {  	(xrf1) =	vsort.dscd.msk.f32 $0xffff, v13, v13;
	v9 =	vand.u32 $0xFFFFFFC0, v9;
	v11 =	vor.u32 v1, v11;
	v18, _, _ =	vpop (xrf1);
	v13 =	vperm.xlane v21, v4  }
0x137: {  	v9 =	vor.u32 v0, v9;
	v21 =	vmin.f32 v19, v10;
	(xrf1) =	vsort.dscd.msk.f32 $0xffff, v11, v11;
	v26, _, _ =	vpop (xrf1)  }
0x138: {  	(xrf1) =	vsort.dscd.msk.f32 $0xffff, v21, v21;
	v11 =	vmax.f32 v26, v16;
	v21 =	vmax.f32 v18, v13  }
0x139: {  	v10 =	vmax.f32 v19, v10;
	(xrf1) =	vsort.dscd.msk.f32 $0xffff, v9, v9;
	v9 =	vmax.f32 v21, v11;
	v19, _, _ =	vpop (xrf1)  }
0x13a: {  	s28 =	simm.s32 $0x380;
	v14 =	vperm.xlane v14, v4;
	v17 =	vmin.f32 v20, v17;
	(xrf1) =	vsort.dscd.msk.f32 $0xffff, v9, v9;
	v27, _, _ =	vpop (xrf1)  }
0x13b: {  	v29 =	vld [tilespmem:s28+$0xFFFFFF90];
	v28 =	vmax.f32 v25, v15;
	v9 =	vmax.f32 v22, v12;
	(xrf1) =	vsort.dscd.msk.f32 $0xffff, v24, v24;
	v24, _, _ =	vpop (xrf1)  }
0x13c: {  	v20 =	vmin.f32 v23, v14;
	(xrf1) =	vsort.dscd.msk.f32 $0xffff, v10, v10;
	v10 =	vmin.f32 v28, v9;
	v30, _, _ =	vpop (xrf1)  }
0x13d: {  	(xrf1) =	vsort.dscd.msk.f32 $0xffff, v10, v10;
	v10 =	vmax.f32 v23, v14;
	v14 =	vperm.xlane v30, v4;
	v23, _, _ =	vpop (xrf1)  }
0x13e: {  	(xrf1) =	vsort.dscd.msk.f32 $0xffff, v17, v17;
	v17, _, _ =	vpop (xrf1)  }
0x13f: {  	v15 =	vmin.f32 v25, v15;
	(xrf1) =	vsort.dscd.msk.f32 $0xffff, v10, v10;
	v25 =	vmax.f32 v17, v14  }
0x140: {  	v13 =	vmin.f32 v18, v13;
	v18 =	vld [tilespmem:s28+$0xFFFFFFB0];
	v12 =	vmin.f32 v22, v12;
	v22 =	vand.u32 $0xFFFFFFC0, v29;
	(xrf1) =	vsort.dscd.msk.f32 $0xffff, v20, v20  }
0x141: {  	v29 =	vld [tilespmem:s28+$0x20];
	v22 =	vor.u32 v1, v22;
	v23 =	vperm.xlane v23, v4;
	(xrf1) =	vsort.dscd.msk.f32 $0xffff, v25, v25  }
0x142: {  	v10 =	vld [tilespmem:s28+$0x30];
	(xrf1) =	vsort.dscd.msk.f32 $0xffff, v22, v22;
	v22 =	vmin.f32 v15, v12;
	v25, _, _ =	vpop (xrf1)  }
0x143: {  	v16 =	vmin.f32 v26, v16;
	v20 =	vld [tilespmem:s28+$0x0];
	(xrf1) =	vsort.dscd.msk.f32 $0xffff, v22, v22;
	v30 =	vmax.f32 v25, v23  }
0x144: {  	v26 =	vmax.f32 v13, v16;
	(xrf1) =	vsort.dscd.msk.f32 $0xffff, v30, v30  }
0x145: {  	v13 =	vmin.f32 v13, v16;
	v11 =	vmin.f32 v21, v11;
	v16 =	vld [tilespmem:s28+$0xFFFFFFA0];
	v21, _, _ =	vpop (xrf1);
	(xrf1) =	vsort.dscd.msk.f32 $0xffff, v26, v26  }
0x146: {  	v19 =	vperm.xlane v19, v4;
	v12 =	vmax.f32 v15, v12;
	v15, _, _ =	vpop (xrf1);
	(xrf1) =	vsort.dscd.msk.f32 $0xffff, v11, v11  }
0x147: {  	v10 =	vand.u32 $0xFFFFFFC0, v10;
	v26, _, _ =	vpop (xrf1);
	(xrf1) =	vsort.dscd.msk.f32 $0xffff, v13, v13;
	v13 =	vperm.xlane v27, v4;
	v27 =	vand.u32 $0xFFFFFFC0, v29  }
0x148: {  	v18 =	vand.u32 $0xFFFFFFC0, v18;
	v22 =	vld [tilespmem:s28+$0x10];
	v10 =	vor.u32 v3, v10;
	v11 =	vand.u32 $0xFFFFFFC0, v20;
	v20, _, _ =	vpop (xrf1)  }
0x149: {  	v9 =	vmax.f32 v28, v9;
	v18 =	vor.u32 v3, v18;
	v28, _, _ =	vpop (xrf1);
	(xrf1) =	vsort.dscd.msk.f32 $0xffff, v10, v10  }
0x14a: {  	v24 =	vperm.xlane v24, v4;
	v10 =	vand.u32 $0xFFFFFFC0, v16;
	v16 =	vor.u32 v2, v27;
	(xrf1) =	vsort.dscd.msk.f32 $0xffff, v18, v18;
	v27, _, _ =	vpop (xrf1)  }
0x14b: {  	v23 =	vmin.f32 v25, v23;
	v15 =	vperm.xlane v15, v4;
	v18 =	vld [tilespmem:s28+$0xFFFFFF80];
	v29, _, _ =	vpop (xrf1);
	(xrf1) =	vsort.dscd.msk.f32 $0xffff, v16, v16  }
0x14c: {  	v30 =	vmax.f32 v26, v19;
	v10 =	vor.u32 v2, v10;
	(xrf1) =	vsort.dscd.msk.f32 $0xffff, v12, v12  }
0x14d: {  	v11 =	vor.u32 v0, v11;
	v22 =	vand.u32 $0xFFFFFFC0, v22;
	v31, _, _ =	vpop (xrf1);
	(xrf1) =	vsort.dscd.msk.f32 $0xffff, v10, v10;
	v10 =	vmin.f32 v17, v14  }
0x14e: {  	v22 =	vor.u32 v1, v22;
	v16 =	vmax.f32 v20, v15;
	v25 =	vmin.f32 v27, v13;
	v49, _, _ =	vpop (xrf1)  }
0x14f: {  	v13 =	vmax.f32 v27, v13;
	v12 =	vmin.f32 v20, v15;
	v14, _, _ =	vpop (xrf1);
	(xrf1) =	vsort.dscd.msk.f32 $0xffff, v10, v10  }
0x150: {  	v15 =	vperm.xlane v21, v4;
	v18 =	vand.u32 $0xFFFFFFC0, v18;
	v20 =	vperm.xlane v49, v4;
	(xrf1) =	vsort.dscd.msk.f32 $0xffff, v22, v22;
	v10, _, _ =	vpop (xrf1)  }
0x151: {  	v17 =	vmin.f32 v26, v19;
	v18 =	vor.u32 v0, v18;
	(xrf1) =	vsort.dscd.msk.f32 $0xffff, v12, v12;
	v19, _, _ =	vpop (xrf1)  }
0x152: {  	v12 =	vmax.f32 v10, v24;
	(xrf1) =	vsort.dscd.msk.f32 $0xffff, v11, v11;
	v11 =	vmax.f32 v14, v20;
	v21, _, _ =	vpop (xrf1)  }
0x153: {  	s29 =	simm.s32 $0x0;
	v10 =	vmin.f32 v10, v24;
	v24 =	vand.u32 $0x3F, v28;
	v14 =	vmin.f32 v14, v20;
	(xrf1) =	vsort.dscd.msk.f32 $0xffff, v9, v9;
	v22, _, _ =	vpop (xrf1)  }
0x154: {  	v27 =	vmax.f32 v11, v12;
	v9 =	vor.u32 s29, v24;
	v24 =	vmax.f32 v29, v15;
	v26, _, _ =	vpop (xrf1)  }
0x155: {  	s30 =	simm.s32 $0x480;
	v50 =	vmax.f32 v14, v10;
	v12 =	vmin.f32 v11, v12;
	(xrf1) =	vsort.dscd.msk.f32 $0xffff, v27, v27;
	v28, _, _ =	vpop (xrf1)  }
0x156: {  	v51 =	vld [tilespmem:s30+$0xFFFFFF90];
	v15 =	vmin.f32 v29, v15;
	v27 =	vand.u32 $0x3F, v31;
	v31 =	vmin.f32 v14, v10;
	(xrf1) =	vsort.dscd.msk.f32 $0xffff, v18, v18;
	v14, _, _ =	vpop (xrf1)  }
0x157: {  	v20 =	vld [tilespmem:s30+$0xFFFFFF80];
	v19 =	vperm.xlane v19, v4;
	(xrf1) =	vsort.dscd.msk.f32 $0xffff, v16, v16;
	v11 =	vand.u32 $0x3F, v14;
	v14 =	vmin.f32 v24, v30;
	v16, _, _ =	vpop (xrf1)  }
0x158: {  	v10 =	vmax.f32 v24, v30;
	v24 =	vld [tilespmem:s30+$0x30];
	v30 =	vor.u32 s29, v11;
	v11 =	vand.u32 $0x3F, v28;
	v28, _, _ =	vpop (xrf1);
	(xrf1) =	vsort.dscd.msk.f32 $0xffff, v14, v14  }
0x159: {  	s31 =	simm.s32 $0x80;
	[tilespmem:v9+s13+$0x0] =	vst.idx.add.f32.msk $0xffff, v5;
	v28 =	vperm.xlane v28, v4;
	v52, _, _ =	vpop (xrf1);
	(xrf1) =	vsort.dscd.msk.f32 $0xffff, v23, v23  }
0x15a: {  	v55 =	vor.u32 s31, v27;
	v14 =	vld [tilespmem:s30+$0xFFFFFFA0];
	v16 =	vand.u32 $0x3F, v16;
	v29 =	vor.u32 s29, v11;
	v54, _, _ =	vpop (xrf1);
	(xrf1) =	vsort.dscd.msk.f32 $0xffff, v13, v13  }
0x15b: {  	v53 =	vld [tilespmem:s30+$0x20];
	v11 =	vperm.xlane v26, v4;
	v26 =	vand.u32 $0xFFFFFFC0, v51;
	v27 =	vmax.f32 v54, v28;
	(xrf1) =	vsort.dscd.msk.f32 $0xffff, v25, v25;
	v56, _, _ =	vpop (xrf1)  }
0x15c: {  	v18 =	vld [tilespmem:s30+$0x0];
	v13 =	vand.u32 $0xFFFFFFC0, v20;
	v20 =	vor.u32 v1, v26;
	(xrf1) =	vsort.dscd.msk.f32 $0xffff, v27, v27;
	v27 =	vperm.xlane v52, v4;
	v57, _, _ =	vpop (xrf1)  }
0x15d: {  	v23 =	vmax.f32 v15, v17;
	v15 =	vmin.f32 v15, v17;
	v16 =	vor.u32 s29, v16;
	v25 =	vld [tilespmem:s30+$0xFFFFFFB0];
	(xrf1) =	vsort.dscd.msk.f32 $0xffff, v20, v20;
	v59, _, _ =	vpop (xrf1)  }
0x15e: {  	v58 =	vperm.xlane v21, v4;
	v26 =	vld [tilespmem:s30+$0x10];
	v24 =	vand.u32 $0xFFFFFFC0, v24;
	v20 =	vmax.f32 v57, v27;
	v21, _, _ =	vpop (xrf1);
	(xrf1) =	vsort.dscd.msk.f32 $0xffff, v15, v15  }
0x15f: {  	v14 =	vand.u32 $0xFFFFFFC0, v14;
	v17 =	vor.u32 v3, v24;
	[tilespmem:v30+s13+$0x0] =	vst.idx.add.f32.msk $0xffff, v6;
	(xrf1) =	vsort.dscd.msk.f32 $0xffff, v20, v20;
	v61, _, _ =	vpop (xrf1)  }
0x160: {  	v60 =	vor.u32 v2, v14;
	v14 =	vand.u32 $0xFFFFFFC0, v53;
	[tilespmem:v29+s13+$0x0] =	vst.idx.add.f32.msk $0xffff, v7;
	v42, _, _ =	vpop (xrf1);
	(xrf1) =	vsort.dscd.msk.f32 $0xffff, v50, v50  }
0x161: {  	v18 =	vand.u32 $0xFFFFFFC0, v18;
	v24 =	vperm.xlane v21, v4;
	v41 =	vor.u32 v2, v14;
	(xrf1) =	vsort.dscd.msk.f32 $0xffff, v12, v12;
	v21, _, _ =	vpop (xrf1)  }
0x162: {  	v20 =	vor.u32 v0, v18;
	[tilespmem:v16+s13+$0x0] =	vst.idx.add.f32.msk $0xffff, v8;
	v14 =	vand.u32 $0xFFFFFFC0, v25;
	v21 =	vand.u32 $0x3F, v21  }
0x163: {  	v62 =	vand.u32 $0x3F, v56;
	v16 =	vmin.f32 v61, v19;
	v12 =	vor.u32 v3, v14;
	v9, _, _ =	vpop (xrf1);
	(xrf1) =	vsort.dscd.msk.f32 $0xffff, v31, v31  }
0x164: {  	v15 =	vmax.f32 v42, v24;
	v14 =	vmax.f32 v61, v19;
	(xrf1) =	vsort.dscd.msk.f32 $0xffff, v17, v17;
	v25, _, _ =	vpop (xrf1);
	v30 =	vor.u32 s31, v21  }
0x165: {  	v18 =	vand.u32 $0xFFFFFFC0, v26;
	v29 =	vmin.f32 v42, v24;
	v24 =	vperm.xlane v59, v4;
	(xrf1) =	vsort.dscd.msk.f32 $0xffff, v12, v12;
	v21, _, _ =	vpop (xrf1)  }
0x166: {  	v17 =	vmin.f32 v57, v27;
	v27 =	vand.u32 $0x3F, v22;
	v22 =	vor.u32 s31, v62;
	(xrf1) =	vsort.dscd.msk.f32 $0xffff, v41, v41;
	v12, _, _ =	vpop (xrf1)  }
0x167: {  	v31 =	vor.u32 v1, v18;
	v63, _, _ =	vpop (xrf1);
	(xrf1) =	vsort.dscd.msk.f32 $0xffff, v23, v23;
	v23 =	vmin.f32 v54, v28  }
0x168: {  	s18 =	simm.s32 $0x100;
	v9 =	vand.u32 $0x3F, v9;
	v18 =	vmin.f32 v25, v58;
	v19 =	vor.u32 s31, v27;
	(xrf1) =	vsort.dscd.msk.f32 $0xffff, v60, v60;
	v26, _, _ =	vpop (xrf1)  }
0x169: {  	s19 =	simm.s32 $0xA;
	s17 =	simm.s32 $0x4;
	v9 =	vor.u32 s18, v9;
	v25 =	vmax.f32 v25, v58;
	[tilespmem:v30+s13+$0x0] =	vst.idx.add.f32.msk $0xffff, v5;
	(xrf1) =	vsort.dscd.msk.f32 $0xffff, v23, v23;
	v27, _, _ =	vpop (xrf1)  }
0x16a: {  	s20 =	simm.s32 $0x580;
	s16 =	simm.s32 $0x6;
	s15 =	simm.s32 $0x8;
	v12 =	vand.u32 $0x3F, v12;
	v28 =	vperm.xlane v63, v4;
	[tilespmem:v55+s13+$0x0] =	vst.idx.add.f32.msk $0xffff, v6;
	(xrf1) =	vsort.dscd.msk.f32 $0xffff, v31, v31;
	v23, _, _ =	vpop (xrf1)  }
.LBB2_4:
0x16b: {  	p0 =	slt.u32 s19, $0xFE;
	v30, _, _ =	vpop (xrf1);
	(xrf1) =	vsort.dscd.msk.f32 $0xffff, v29, v29;
	v29 =	vmax.f32 v27, v11;
	[tilespmem:v22+s13+$0x0] =	vst.idx.add.f32.msk $0xffff, v7;
	s21 =	smov.u32 s19;
	s19 =	sadd.s32 $0x2, s19  }
0x16c: {  	v13 =	vor.u32 v0, v13;
	v22 =	vld [tilespmem:s20+$0x30];
	(xrf1) =	vsort.dscd.msk.f32 $0xffff, v20, v20;
	v20 =	vmax.f32 v26, v28;
	v31, _, _ =	vpop (xrf1)  }
0x16d: {  	v36 =	vmin.f32 v27, v11;
	v32, _, _ =	vpop (xrf1);
	v27 =	vmax.f32 v20, v29;
	[tilespmem:v19+s13+$0x0] =	vst.idx.add.f32.msk $0xffff, v8  }
0x16e: {  	v26 =	vmin.f32 v26, v28;
	v28 =	vmax.f32 v21, v24;
	v19 =	vld [tilespmem:s20+$0xFFFFFF80];
	v33, _, _ =	vpop (xrf1);
	(xrf1) =	vsort.dscd.msk.f32 $0xffff, v10, v10  }
0x16f: {  	v35 =	vmax.f32 v26, v36;
	v26 =	vmin.f32 v26, v36;
	v34 =	vld [tilespmem:s20+$0x0];
	(xrf1) =	vsort.dscd.msk.f32 $0xffff, v27, v27;
	v11, _, _ =	vpop (xrf1)  }
0x170: {  	v29 =	vmin.f32 v20, v29;
	v10 =	vmax.f32 v28, v14;
	v27 =	vld [tilespmem:s20+$0xFFFFFF90];
	(xrf1) =	vsort.dscd.msk.f32 $0xffff, v13, v13;
	v11 =	vand.u32 $0x3F, v11  }
0x171: {  	v13 =	vmin.f32 v28, v14;
	v20 =	vld [tilespmem:s20+$0xFFFFFFA0];
	(xrf1) =	vsort.dscd.msk.f32 $0xffff, v15, v15;
	v28 =	vor.u32 s18, v11;
	v11 =	vand.u32 $0x3F, v33;
	v14, _, _ =	vpop (xrf1)  }
0x172: {  	v21 =	vmin.f32 v21, v24;
	v15 =	vld [tilespmem:s20+$0xFFFFFFB0];
	v33, _, _ =	vpop (xrf1);
	(xrf1) =	vsort.dscd.msk.f32 $0xffff, v13, v13;
	v24 =	vor.u32 s18, v11;
	v14 =	vand.u32 $0x3F, v14  }
0x173: {  	s22 =	sadd.s32 $0x80, s18;
	v38 =	vmax.f32 v21, v16;
	v36 =	vld [tilespmem:s20+$0x10];
	v33 =	vperm.xlane v33, v4;
	v37, _, _ =	vpop (xrf1);
	(xrf1) =	vsort.dscd.msk.f32 $0xffff, v17, v17  }
0x174: {  	v23 =	vperm.xlane v23, v4;
	v11 =	vperm.xlane v32, v4;
	v32 =	vor.u32 s22, v12;
	v17 =	vld [tilespmem:s20+$0x20];
	v39, _, _ =	vpop (xrf1);
	(xrf1) =	vsort.dscd.msk.f32 $0xffff, v25, v25  }
0x175: {  	v25 =	vand.u32 $0xFFFFFFC0, v34;
	v41 =	vand.u32 $0xFFFFFFC0, v27;
	v27 =	vmax.f32 v39, v33;
	(xrf1) =	vsort.dscd.msk.f32 $0xffff, v18, v18;
	v18, _, _ =	vpop (xrf1)  }
0x176: {  	v13 =	vand.u32 $0xFFFFFFC0, v19;
	v19 =	vperm.xlane v37, v4;
	v40 =	vor.u32 v1, v41;
	v34, _, _ =	vpop (xrf1);
	(xrf1) =	vsort.dscd.msk.f32 $0xffff, v27, v27  }
0x177: {  	v16 =	vmin.f32 v21, v16;
	v22 =	vand.u32 $0xFFFFFFC0, v22;
	v27 =	vperm.xlane v30, v4;
	(xrf1) =	vsort.dscd.msk.f32 $0xffff, v40, v40;
	v12, _, _ =	vpop (xrf1)  }
0x178: {  	v21 =	vor.u32 v3, v22;
	v20 =	vand.u32 $0xFFFFFFC0, v20;
	v22 =	vmax.f32 v34, v19;
	v30, _, _ =	vpop (xrf1);
	(xrf1) =	vsort.dscd.msk.f32 $0xffff, v16, v16  }
0x179: {  	v16 =	vor.u32 v2, v20;
	v17 =	vand.u32 $0xFFFFFFC0, v17;
	v30 =	vperm.xlane v30, v4;
	(xrf1) =	vsort.dscd.msk.f32 $0xffff, v22, v22;
	v37, _, _ =	vpop (xrf1)  }
0x17a: {  	v41 =	vand.u32 $0x3F, v18;
	v22 =	vor.u32 v2, v17;
	v40, _, _ =	vpop (xrf1);
	(xrf1) =	vsort.dscd.msk.f32 $0xffff, v35, v35;
	v35 =	vor.u32 s18, v14  }
0x17b: {  	v20 =	vor.u32 v0, v25;
	v14 =	vand.u32 $0xFFFFFFC0, v15;
	v15 =	vmax.f32 v40, v30;
	(xrf1) =	vsort.dscd.msk.f32 $0xffff, v29, v29  }
0x17c: {  	v17 =	vand.u32 $0xFFFFFFC0, v36;
	v18 =	vor.u32 v3, v14;
	v14 =	vmax.f32 v37, v23;
	[tilespmem:v9+s13+$0x0] =	vst.idx.add.f32.msk $0xffff, v5;
	v9, _, _ =	vpop (xrf1)  }
0x17d: {  	v36 =	vor.u32 v1, v17;
	v25, _, _ =	vpop (xrf1);
	(xrf1) =	vsort.dscd.msk.f32 $0xffff, v26, v26;
	[tilespmem:v28+s13+$0x0] =	vst.idx.add.f32.msk $0xffff, v6;
	v9 =	vand.u32 $0x3F, v9  }
0x17e: {  	s18 =	sshll.u32 s17, $0x7;
	s17 =	smov.u32 s16;
	s16 =	smov.u32 s15;
	v17 =	vmin.f32 v34, v19;
	(xrf1) =	vsort.dscd.msk.f32 $0xffff, v21, v21;
	v28, _, _ =	vpop (xrf1);
	v19 =	vand.u32 $0x3F, v25;
	v34 =	vor.u32 s22, v9  }
0x17f: {  	s15 =	smov.u32 s21;
	(xrf1) =	vsort.dscd.msk.f32 $0xffff, v18, v18;
	v21, _, _ =	vpop (xrf1);
	v9 =	vor.u32 s18, v19;
	[tilespmem:v24+s13+$0x0] =	vst.idx.add.f32.msk $0xffff, v7;
	v19 =	vand.u32 $0x3F, v31  }
.Ltmp1:
0x180: {  	v18 =	vmin.f32 v28, v27;
	(xrf1) =	vsort.dscd.msk.f32 $0xffff, v22, v22;
	v25, _, _ =	vpop (xrf1);
	[tilespmem:v35+s13+$0x0] =	vst.idx.add.f32.msk $0xffff, v8;
	v22 =	vor.u32 s22, v41;
	(pc) =	sbr.rel @p0 .LBB2_4-.Ltmp1, $4  }
0x181: {  	v29 =	vmin.f32 v40, v30;
	v24 =	vperm.xlane v12, v4;
	v19 =	vor.u32 s22, v19;
	v30, _, _ =	vpop (xrf1);
	(xrf1) =	vsort.dscd.msk.f32 $0xffff, v38, v38  }
0x182: {  	v31 =	vmin.f32 v39, v33;
	v12 =	vand.u32 $0x3F, v25;
	(xrf1) =	vsort.dscd.msk.f32 $0xffff, v16, v16;
	v16 =	vmin.f32 v37, v23;
	v26, _, _ =	vpop (xrf1)  }
0x183: {  	v25 =	vmax.f32 v28, v27;
	(xrf1) =	vsort.dscd.msk.f32 $0xffff, v31, v31;
	v27, _, _ =	vpop (xrf1);
	[tilespmem:v34+s13+$0x0] =	vst.idx.add.f32.msk $0xffff, v5  }
0x184: {  	s20 =	sadd.s32 $0x100, s20;
	v28 =	vperm.xlane v30, v4;
	(xrf1) =	vsort.dscd.msk.f32 $0xffff, v36, v36;
	v23, _, _ =	vpop (xrf1);
	[tilespmem:v32+s13+$0x0] =	vst.idx.add.f32.msk $0xffff, v6  }
0x185: {  	(xrf1) =	vsort.dscd.msk.f32 $0xffff, v29, v29  }
0x186: {  	v29, _, _ =	vpop (xrf1);
	v30 =	vmax.f32 v27, v11;
	(xrf1) =	vsort.dscd.msk.f32 $0xffff, v20, v20;
	v31 =	vmax.f32 v26, v28  }
0x187: {  	v20, _, _ =	vpop (xrf1);
	v32 =	vmax.f32 v31, v30;
	(xrf1) =	vsort.dscd.msk.f32 $0xffff, v10, v10  }
0x188: {  	v49 =	vor.u32 v0, v13;
	v50, _, _ =	vpop (xrf1);
	(xrf1) =	vsort.dscd.msk.f32 $0xffff, v32, v32  }
0x189: {  	v51 =	vmax.f32 v21, v24;
	v33, _, _ =	vpop (xrf1);
	(xrf1) =	vsort.dscd.msk.f32 $0xffff, v49, v49  }
0x18a: {  	v52 =	vmin.f32 v51, v14;
	v10, _, _ =	vpop (xrf1);
	(xrf1) =	vsort.dscd.msk.f32 $0xffff, v15, v15  }
0x18b: {  	v34, _, _ =	vpop (xrf1);
	(xrf1) =	vsort.dscd.msk.f32 $0xffff, v52, v52  }
0x18c: {  	v53, _, _ =	vpop (xrf1);
	(xrf1) =	vsort.dscd.msk.f32 $0xffff, v17, v17  }
0x18d: {  	v54, _, _ =	vpop (xrf1);
	(xrf1) =	vsort.dscd.msk.f32 $0xffff, v25, v25  }
0x18e: {  	v55, _, _ =	vpop (xrf1);
	(xrf1) =	vsort.dscd.msk.f32 $0xffff, v18, v18  }
0x18f: {  	v18, _, _ =	vpop (xrf1)  }
0x190: {  	v35, _, _ =	vpop (xrf1)  }
0x191: {  	v36, _, _ =	vpop (xrf1)  }
0x192: {  	v15 =	vperm.xlane v53, v4;
	v37, _, _ =	vpop (xrf1)  }
0x193: {  	v38, _, _ =	vpop (xrf1)  }
0x194: {  	v56 =	vmin.f32 v21, v24;
	v17 =	vperm.xlane v54, v4;
	v57 =	vmax.f32 v55, v15;
	v39, _, _ =	vpop (xrf1)  }
0x195: {  	v58 =	vmin.f32 v27, v11;
	v59 =	vmin.f32 v56, v16;
	(xrf1) =	vsort.dscd.msk.f32 $0xffff, v57, v57;
	v27, _, _ =	vpop (xrf1)  }
0x196: {  	v60 =	vmin.f32 v26, v28;
	v61 =	vmax.f32 v35, v17;
	(xrf1) =	vsort.dscd.msk.f32 $0xffff, v59, v59;
	v24, _, _ =	vpop (xrf1)  }
0x197: {  	v23 =	vperm.xlane v23, v4;
	v40 =	vmax.f32 v60, v58;
	(xrf1) =	vsort.dscd.msk.f32 $0xffff, v61, v61;
	v62, _, _ =	vpop (xrf1)  }
0x198: {  	v41 =	vmax.f32 v51, v14;
	v63 =	vmin.f32 v31, v30;
	(xrf1) =	vsort.dscd.msk.f32 $0xffff, v40, v40;
	v42, _, _ =	vpop (xrf1)  }
0x199: {  	v43 =	vmax.f32 v56, v16;
	v11 =	vmin.f32 v60, v58;
	(xrf1) =	vsort.dscd.msk.f32 $0xffff, v63, v63;
	v21, _, _ =	vpop (xrf1)  }
0x19a: {  	v13 =	vperm.xlane v50, v4;
	v44 =	vperm.xlane v37, v4;
	(xrf1) =	vsort.dscd.msk.f32 $0xffff, v11, v11;
	v45, _, _ =	vpop (xrf1)  }
0x19b: {  	v15 =	vmin.f32 v55, v15;
	(xrf1) =	vsort.dscd.msk.f32 $0xffff, v43, v43;
	v46, _, _ =	vpop (xrf1);
	v11 =	vperm.xlane v45, v4  }
0x19c: {  	v48 =	vperm.xlane v36, v4;
	v47 =	vmin.f32 v39, v44;
	(xrf1) =	vsort.dscd.msk.f32 $0xffff, v15, v15;
	v49, _, _ =	vpop (xrf1)  }
0x19d: {  	(xrf1) =	vsort.dscd.msk.f32 $0xffff, v47, v47;
	v50 =	vmax.f32 v49, v13;
	v51 =	vmax.f32 v46, v11  }
0x19e: {  	v53 =	vmax.f32 v38, v23;
	(xrf1) =	vsort.dscd.msk.f32 $0xffff, v41, v41;
	v52 =	vmax.f32 v51, v50  }
0x19f: {  	v28 =	vmax.f32 v39, v44;
	v54 =	vmax.f32 v42, v48;
	(xrf1) =	vsort.dscd.msk.f32 $0xffff, v52, v52  }
0x1a0: {  	v29 =	vperm.xlane v29, v4;
	v55 =	vmin.f32 v54, v53;
	(xrf1) =	vsort.dscd.msk.f32 $0xffff, v28, v28  }
0x1a1: {  	v17 =	vmin.f32 v35, v17;
	(xrf1) =	vsort.dscd.msk.f32 $0xffff, v55, v55  }
0x1a2: {  	v56 =	vmax.f32 v62, v29;
	(xrf1) =	vsort.dscd.msk.f32 $0xffff, v17, v17  }
0x1a3: {  	v10 =	vand.u32 $0x3F, v10;
	v26 =	vmin.f32 v62, v29;
	v57, _, _ =	vpop (xrf1);
	(xrf1) =	vsort.dscd.msk.f32 $0xffff, v56, v56  }
0x1a4: {  	v10 =	vor.u32 s18, v10;
	v29, _, _ =	vpop (xrf1);
	(xrf1) =	vsort.dscd.msk.f32 $0xffff, v26, v26  }
0x1a5: {  	v60, _, _ =	vpop (xrf1)  }
0x1a6: {  	[tilespmem:v22+s13+$0x0] =	vst.idx.add.f32.msk $0xffff, v7;
	v26, _, _ =	vpop (xrf1)  }
0x1a7: {  	s28 =	sadd.s32 $0x80, s18;
	[tilespmem:v9+s13+$0x0] =	vst.idx.add.f32.msk $0xffff, v5;
	v62 =	vand.u32 $0x3F, v27;
	v63, _, _ =	vpop (xrf1)  }
0x1a8: {  	[tilespmem:v19+s13+$0x0] =	vst.idx.add.f32.msk $0xffff, v8;
	v59 =	vand.u32 $0x3F, v34;
	v34 =	vor.u32 s28, v62;
	v19, _, _ =	vpop (xrf1)  }
0x1a9: {  	v12 =	vor.u32 s28, v12;
	[tilespmem:v10+s13+$0x0] =	vst.idx.add.f32.msk $0xffff, v6;
	v10, _, _ =	vpop (xrf1)  }
0x1aa: {  	v58 =	vand.u32 $0x3F, v33;
	v37 =	vmin.f32 v38, v23;
	v39 =	vmin.f32 v42, v48;
	v35, _, _ =	vpop (xrf1)  }
0x1ab: {  	v30 =	vmin.f32 v39, v37;
	v17 =	vor.u32 s18, v58;
	v38, _, _ =	vpop (xrf1)  }
0x1ac: {  	v14 =	vmax.f32 v54, v53;
	v13 =	vmin.f32 v49, v13;
	v11 =	vmin.f32 v46, v11;
	v40, _, _ =	vpop (xrf1)  }
0x1ad: {  	v15 =	vmax.f32 v39, v37;
	[tilespmem:v34+s13+$0x0] =	vst.idx.add.f32.msk $0xffff, v5;
	v41 =	vmax.f32 v11, v13;
	v42, _, _ =	vpop (xrf1)  }
0x1ae: {  	v11 =	vmin.f32 v11, v13;
	v43 =	vmin.f32 v51, v50;
	(xrf1) =	vsort.dscd.msk.f32 $0xffff, v30, v30;
	v44, _, _ =	vpop (xrf1)  }
0x1af: {  	v20 =	vand.u32 $0x3F, v20;
	[tilespmem:v12+s13+$0x0] =	vst.idx.add.f32.msk $0xffff, v6;
	v28 =	vperm.xlane v57, v4;
	(xrf1) =	vsort.dscd.msk.f32 $0xffff, v41, v41;
	v45, _, _ =	vpop (xrf1)  }
0x1b0: {  	v18 =	vand.u32 $0x3F, v18;
	[tilespmem:v17+s13+$0x0] =	vst.idx.add.f32.msk $0xffff, v7;
	(xrf1) =	vsort.dscd.msk.f32 $0xffff, v43, v43;
	v17 =	vperm.xlane v35, v4;
	v47, _, _ =	vpop (xrf1)  }
0x1b1: {  	v18 =	vor.u32 s28, v18;
	v46 =	vperm.xlane v60, v4;
	(xrf1) =	vsort.dscd.msk.f32 $0xffff, v11, v11;
	v49, _, _ =	vpop (xrf1);
	v13 =	vperm.xlane v47, v4  }
0x1b2: {  	v48 =	vmax.f32 v38, v28;
	v50 =	vmin.f32 v38, v28;
	v56 =	vmax.f32 v44, v17;
	v51, _, _ =	vpop (xrf1)  }
0x1b3: {  	v61 =	vor.u32 s18, v59;
	(xrf1) =	vsort.dscd.msk.f32 $0xffff, v15, v15;
	v52 =	vmax.f32 v51, v46;
	v53 =	vmax.f32 v49, v13  }
0x1b4: {  	v20 =	vor.u32 s28, v20;
	v17 =	vmin.f32 v44, v17;
	(xrf1) =	vsort.dscd.msk.f32 $0xffff, v14, v14;
	v55 =	vmax.f32 v53, v52  }
0x1b5: {  	s17 =	sshll.u32 s17, $0x7;
	v54 =	vand.u32 $0x3F, v24;
	v57 =	vmin.f32 v56, v48;
	v58 =	vmin.f32 v17, v50;
	(xrf1) =	vsort.dscd.msk.f32 $0xffff, v55, v55  }
0x1b6: {  	v23 =	vor.u32 s17, v54;
	v22 =	vmin.f32 v51, v46;
	v11 =	vmin.f32 v49, v13;
	(xrf1) =	vsort.dscd.msk.f32 $0xffff, v57, v57  }
0x1b7: {  	[tilespmem:v18+s13+$0x0] =	vst.idx.add.f32.msk $0xffff, v7;
	v60 =	vand.u32 $0x3F, v63;
	v59 =	vmax.f32 v11, v22;
	(xrf1) =	vsort.dscd.msk.f32 $0xffff, v58, v58  }
0x1b8: {  	v63 =	vand.u32 $0x3F, v26;
	[tilespmem:v61+s13+$0x0] =	vst.idx.add.f32.msk $0xffff, v8;
	v61 =	vmin.f32 v53, v52;
	(xrf1) =	vsort.dscd.msk.f32 $0xffff, v59, v59  }
0x1b9: {  	s29 =	sadd.s32 $0x80, s17;
	v62 =	vor.u32 s17, v60;
	v16 =	vand.u32 $0x3F, v40;
	v11 =	vmin.f32 v11, v22;
	(xrf1) =	vsort.dscd.msk.f32 $0xffff, v61, v61  }
0x1ba: {  	v26 =	vand.u32 $0x3F, v21;
	v16 =	vor.u32 s29, v16;
	v15 =	vmax.f32 v17, v50;
	(xrf1) =	vsort.dscd.msk.f32 $0xffff, v11, v11  }
0x1bb: {  	v27 =	vor.u32 s29, v26;
	v10 =	vand.u32 $0x3F, v10;
	v14 =	vmax.f32 v56, v48;
	(xrf1) =	vsort.dscd.msk.f32 $0xffff, v15, v15  }
0x1bc: {  	[tilespmem:v23+s13+$0x0] =	vst.idx.add.f32.msk $0xffff, v5;
	v10 =	vor.u32 s29, v10;
	(xrf1) =	vsort.dscd.msk.f32 $0xffff, v14, v14  }
0x1bd: {  	s16 =	sshll.u32 s16, $0x7;
	[tilespmem:v20+s13+$0x0] =	vst.idx.add.f32.msk $0xffff, v8;
	v33 =	vand.u32 $0x3F, v42;
	v13 =	vor.u32 s17, v63;
	v28, _, _ =	vpop (xrf1)  }
0x1be: {  	v30 =	vand.u32 $0x3F, v29;
	[tilespmem:v62+s13+$0x0] =	vst.idx.add.f32.msk $0xffff, v6;
	v18 =	vor.u32 s16, v33;
	v32, _, _ =	vpop (xrf1)  }
0x1bf: {  	v12 =	vor.u32 s29, v30;
	v24 =	vand.u32 $0x3F, v19;
	[tilespmem:v16+s13+$0x0] =	vst.idx.add.f32.msk $0xffff, v5;
	v34, _, _ =	vpop (xrf1)  }
0x1c0: {  	v25 =	vor.u32 s17, v24;
	[tilespmem:v27+s13+$0x0] =	vst.idx.add.f32.msk $0xffff, v6;
	v35 =	vand.u32 $0x3F, v34;
	v36, _, _ =	vpop (xrf1)  }
0x1c1: {  	[tilespmem:v10+s13+$0x0] =	vst.idx.add.f32.msk $0xffff, v7;
	v37 =	vand.u32 $0x3F, v32;
	v11 =	vor.u32 s16, v35;
	v38, _, _ =	vpop (xrf1)  }
0x1c2: {  	v39 =	vor.u32 s16, v37;
	[tilespmem:v13+s13+$0x0] =	vst.idx.add.f32.msk $0xffff, v7;
	v13 =	vand.u32 $0x3F, v36;
	v40, _, _ =	vpop (xrf1)  }
0x1c3: {  	s30 =	sadd.s32 $0x80, s16;
	[tilespmem:v18+s13+$0x0] =	vst.idx.add.f32.msk $0xffff, v5;
	v41 =	vor.u32 s16, v13;
	v16 =	vand.u32 $0x3F, v40;
	v42, _, _ =	vpop (xrf1)  }
0x1c4: {  	v9 =	vand.u32 $0x3F, v45;
	[tilespmem:v12+s13+$0x0] =	vst.idx.add.f32.msk $0xffff, v8;
	v43 =	vor.u32 s30, v16;
	v44, _, _ =	vpop (xrf1)  }
0x1c5: {  	v9 =	vor.u32 s30, v9;
	[tilespmem:v25+s13+$0x0] =	vst.idx.add.f32.msk $0xffff, v8;
	v17 =	vand.u32 $0x3F, v38;
	v45, _, _ =	vpop (xrf1)  }
0x1c6: {  	v46 =	vand.u32 $0x3F, v28;
	[tilespmem:v11+s13+$0x0] =	vst.idx.add.f32.msk $0xffff, v6;
	v47 =	vor.u32 s30, v17;
	v48, _, _ =	vpop (xrf1)  }
0x1c7: {  	s15 =	sshll.u32 s15, $0x7;
	v11 =	vor.u32 s30, v46;
	[tilespmem:v39+s13+$0x0] =	vst.idx.add.f32.msk $0xffff, v7;
	v13 =	vand.u32 $0x3F, v42;
	v49, _, _ =	vpop (xrf1)  }
0x1c8: {  	[tilespmem:v41+s13+$0x0] =	vst.idx.add.f32.msk $0xffff, v8;
	v13 =	vor.u32 s15, v13;
	v50 =	vand.u32 $0x3F, v49;
	v51, _, _ =	vpop (xrf1)  }
0x1c9: {  	[tilespmem:v43+s13+$0x0] =	vst.idx.add.f32.msk $0xffff, v5;
	v52 =	vand.u32 $0x3F, v48;
	v10 =	vor.u32 s15, v50;
	v53, _, _ =	vpop (xrf1)  }
0x1ca: {  	[tilespmem:v9+s13+$0x0] =	vst.idx.add.f32.msk $0xffff, v6;
	v54 =	vor.u32 s15, v52;
	v55 =	vand.u32 $0x3F, v51;
	v56, _, _ =	vpop (xrf1)  }
0x1cb: {  	s31 =	sadd.s32 $0x80, s15;
	[tilespmem:v47+s13+$0x0] =	vst.idx.add.f32.msk $0xffff, v7;
	v12 =	vor.u32 s15, v55;
	v14 =	vand.u32 $0x3F, v56  }
0x1cc: {  	v57 =	vand.u32 $0x3F, v44;
	[tilespmem:v11+s13+$0x0] =	vst.idx.add.f32.msk $0xffff, v8;
	v58 =	vor.u32 s31, v14  }
0x1cd: {  	v59 =	vor.u32 s31, v57;
	v60 =	vand.u32 $0x3F, v53;
	[tilespmem:v13+s13+$0x0] =	vst.idx.add.f32.msk $0xffff, v5  }
0x1ce: {  	v61 =	vand.u32 $0x3F, v45;
	v62 =	vor.u32 s31, v60;
	[tilespmem:v10+s13+$0x0] =	vst.idx.add.f32.msk $0xffff, v6  }
0x1cf: {  	v63 =	vor.u32 s31, v61;
	[tilespmem:v54+s13+$0x0] =	vst.idx.add.f32.msk $0xffff, v7  }
0x1d0: {  	[tilespmem:v12+s13+$0x0] =	vst.idx.add.f32.msk $0xffff, v8  }
0x1d1: {  	[tilespmem:v58+s13+$0x0] =	vst.idx.add.f32.msk $0xffff, v5  }
0x1d2: {  	s14 =	sadd.s32 $0x1, s14;
	[tilespmem:v59+s13+$0x0] =	vst.idx.add.f32.msk $0xffff, v6  }
0x1d3: {  	p0 =	sne.s32 s14, s10;
	[tilespmem:v62+s13+$0x0] =	vst.idx.add.f32.msk $0xffff, v7  }
.Ltmp2:
0x1d4: {  	[tilespmem:v63+s13+$0x0] =	vst.idx.add.f32.msk $0xffff, v8;
	(pc) =	sbr.rel @p0 .LBB2_1-.Ltmp2, $4  }
0x1d5: {  	[hbm4b:s9+s2] =	stream.linear.scatter [tilespmem:s13], [sflag:$0x1], $0x8000, $0x38;
	[tilespmem:$0x10080] =	vst v63  }
0x1d6: {  	_ =	swait.ge [sflag:s12], $0x8000  }
0x1d7: {  	[sflag:s12] =	ssyncset.done $0x0  }
0x1d8: {  	[sflag:s12] =	ssyncadd.s32 $0xFFFF8000  }
0x1d9: {  	_ =	sfence.sel $0x180000  }
0x1da: {  	[bflag:$0x0] =	sbarrier.arrive $0xFFFF  }
0x1db: {  	p0 =	sne.s32 s3, $0x0;
	_ =	strace $0x90000047  }
0x1dc: {  	s0 =	sadd.s32 @!p0 $0x100000, s0;
	[bflag:$0x2] =	sbarrier.arrive $0xFFFF  }
0x1dd: {  	[sflag:s0] =	ssyncadd.tile.s32 @!p0 $0x1;
	_ =	shalt  }
.Lfunc_end2:
_tile_overlayer_lowered:
.L_overlay_start_2:
0x1de: {  	(tag) =	ssettag $0x2  }
0x1df: {  	s0 =	rddreg [dreg:$0x0];
	s2 =	stileid.u32  }
0x1e0: {  	s1 =	rddreg [dreg:$0x1];
	p0 =	sne.s32 s2, $0x0  }
0x1e1: {  	s3 =	rddreg [dreg:$0x2];
	[bflag:$0x3] =	sbarrier.arrive $0xFFFF;
	s2 =	simm.s32 @!p0 $0x1C01  }
0x1e2: {  	[timem:s3], [sflag:s2] =	dma.local @!p0 [hbm:s0], s1  }
0x1e3: {  	s0 =	simm.s32 @!p0 $0x1  }
0x1e4: {  	_ =	swait.ge @!p0 [sflag:s0], s1  }
0x1e5: {  	s1 =	ssub.s32 @!p0 $0x0, s1;
	[sflag:s0] =	ssyncset.done @!p0 $0x0  }
0x1e6: {  	[sflag:s0] =	ssyncadd.s32 @!p0 s1  }
0x1e7: {  	[bflag:$0x3] =	sbarrier.arrive $0xFFFF  }
0x1e8: {  	_ =	shalt  }

</sc_bundles>
